<compile_context>
chip_gen: v7x
topology: tpu7x:2x2x1
jax: 0.10.2.dev20260603
libtpu: 0.0.44.dev20260713+nightly
codegen_flags: <defaults>
</compile_context>

<pallas_src>
import functools

import jax
import jax.numpy as jnp
from jax import lax
from jax.experimental import pallas as pl
from jax.experimental.pallas import tpu as pltpu
from jax.experimental.pallas import tpu_sc as plsc

_N = 10000
_E = 320000
_NC = 2
_NS = 16
_K = 80
_R = 1000
_NP = 10240
_RPT = _NP // _NS


def _make_spmm(table_rows, epc):
    ept = epc // _NS
    nch = ept // _K

    @functools.partial(
        pl.kernel,
        out_type=jax.ShapeDtypeStruct((_NC, _NP, 128), jnp.float32),
        mesh=plsc.VectorSubcoreMesh(core_axis_name="c", subcore_axis_name="s",
                                    num_cores=_NC, num_subcores=_NS),
        scratch_types=[
            pltpu.VMEM((nch, _K), jnp.int32),
            pltpu.VMEM((nch, _K), jnp.int32),
            pltpu.VMEM((_K, 128), jnp.float32),
            pltpu.VMEM_SHARED((_NP, 128), jnp.float32),
            pltpu.SemaphoreType.DMA,
        ],
    )
    def spmm(tab_hbm, src_hbm, dst_hbm, zeros_hbm, out_hbm,
             idx_s, idx_d, rows, acc, sem):
        c = lax.axis_index("c")
        s = lax.axis_index("s")
        pltpu.sync_copy(zeros_hbm.at[pl.ds(s * _RPT, _RPT)],
                        acc.at[pl.ds(s * _RPT, _RPT)])
        pltpu.sync_copy(src_hbm.at[c, s], idx_s)
        pltpu.sync_copy(dst_hbm.at[c, s], idx_d)
        plsc.subcore_barrier()

        def chunk(i, carry):
            pltpu.async_copy(tab_hbm.at[idx_s.at[i]], rows, sem).wait()
            pltpu.sync_copy(rows, acc.at[idx_d.at[i]], add=True)
            return carry

        lax.fori_loop(0, nch, chunk, 0)
        plsc.subcore_barrier()
        pltpu.sync_copy(acc.at[pl.ds(s * _RPT, _RPT)],
                        out_hbm.at[c, pl.ds(s * _RPT, _RPT)])

    return spmm


@functools.lru_cache(maxsize=None)
def _sc_kernels():
    return _make_spmm(_N, _E // _NC)


def _dinv_of(degp_blk):
    deg = degp_blk[0, :, 0] + degp_blk[1, :, 0] + 1.0
    return lax.rsqrt(deg)[:, None]


def _tc1(x, W1, degp):
    def body(x_ref, w_ref, degp_ref, out_ref):
        dinv = _dinv_of(degp_ref[...])
        h = jnp.dot(x_ref[...], w_ref[...], preferred_element_type=jnp.float32)
        hs = h * dinv
        out_ref[0] = hs[:, :128]
        out_ref[1] = hs[:, 128:]

    return pl.pallas_call(
        body,
        grid=(_N // _R,),
        in_specs=[
            pl.BlockSpec((_R, 128), lambda g: (g, 0)),
            pl.BlockSpec((128, 256), lambda g: (0, 0)),
            pl.BlockSpec((_NC, _R, 128), lambda g: (0, g, 0)),
        ],
        out_specs=pl.BlockSpec((_NC, _R, 128), lambda g: (0, g, 0)),
        out_shape=jax.ShapeDtypeStruct((_NC, _N, 128), jnp.float32),
    )(x, W1, degp)


def _tc2(agg1_0, agg1_1, hs1, degp, b1r, W2r):
    def body(a0_ref, a1_ref, hs_ref, degp_ref, b_ref, w_ref, out_ref):
        dinv = _dinv_of(degp_ref[...])
        y0 = jnp.maximum(
            dinv * (a0_ref[0] + a0_ref[1] + hs_ref[0]) + b_ref[0], 0.0)
        y1 = jnp.maximum(
            dinv * (a1_ref[0] + a1_ref[1] + hs_ref[1]) + b_ref[1], 0.0)
        h2 = (jnp.dot(y0, w_ref[0], preferred_element_type=jnp.float32)
              + jnp.dot(y1, w_ref[1], preferred_element_type=jnp.float32))
        out_ref[...] = h2 * dinv

    return pl.pallas_call(
        body,
        grid=(_N // _R,),
        in_specs=[
            pl.BlockSpec((_NC, _R, 128), lambda g: (0, g, 0)),
            pl.BlockSpec((_NC, _R, 128), lambda g: (0, g, 0)),
            pl.BlockSpec((_NC, _R, 128), lambda g: (0, g, 0)),
            pl.BlockSpec((_NC, _R, 128), lambda g: (0, g, 0)),
            pl.BlockSpec((2, 128), lambda g: (0, 0)),
            pl.BlockSpec((2, 128, 128), lambda g: (0, 0, 0)),
        ],
        out_specs=pl.BlockSpec((_R, 128), lambda g: (g, 0)),
        out_shape=jax.ShapeDtypeStruct((_N, 128), jnp.float32),
    )(agg1_0, agg1_1, hs1, degp, b1r, W2r)


def _tc3(agg2, hs2, degp, b2r):
    def body(agg_ref, hs_ref, degp_ref, b_ref, out_ref):
        dinv = _dinv_of(degp_ref[...])
        msg = agg_ref[0] + agg_ref[1] + hs_ref[...]
        out_ref[...] = jnp.maximum(dinv * msg + b_ref[0], 0.0)

    return pl.pallas_call(
        body,
        grid=(_N // _R,),
        in_specs=[
            pl.BlockSpec((_NC, _R, 128), lambda g: (0, g, 0)),
            pl.BlockSpec((_R, 128), lambda g: (g, 0)),
            pl.BlockSpec((_NC, _R, 128), lambda g: (0, g, 0)),
            pl.BlockSpec((1, 128), lambda g: (0, 0)),
        ],
        out_specs=pl.BlockSpec((_R, 128), lambda g: (g, 0)),
        out_shape=jax.ShapeDtypeStruct((_N, 128), jnp.float32),
    )(agg2, hs2, degp, b2r)


def kernel(x, edge_index, W1, b1, W2, b2):
    src = edge_index[0]
    dst = edge_index[1]
    ept = _E // (_NC * _NS)
    src_es = src.reshape(_NC, _NS, ept // _K, _K)
    dst_es = dst.reshape(_NC, _NS, ept // _K, _K)

    ones_nd = jnp.ones((_N, 128), jnp.float32)
    zeros_nd = jnp.zeros((_NP, 128), jnp.float32)

    _spmm = _sc_kernels()
    degp = _spmm(ones_nd, src_es, dst_es, zeros_nd)
    hs1 = _tc1(x, W1, degp)
    agg1_0 = _spmm(hs1[0], src_es, dst_es, zeros_nd)
    agg1_1 = _spmm(hs1[1], src_es, dst_es, zeros_nd)
    hs2 = _tc2(agg1_0, agg1_1, hs1, degp,
               b1.reshape(2, 128), W2.reshape(2, 128, 128))
    agg2 = _spmm(hs2, src_es, dst_es, zeros_nd)
    return _tc3(agg2, hs2, degp, b2.reshape(1, 128))

# --- scband reference (transcript-rebuilt; emitter-appended) ---
"""Pipeline reference for scband-model-32925219291401 (READ-ONLY COPY).

The authoritative reference and input builder live on the scoring server;
editing this copy changes nothing except your own understanding.
"""

import jax, jax.numpy as jnp
import numpy as np

N = 10000
E = 320000
D_IN = 128
D_HID = 256  # 2 * out_channels
D_OUT = 128


def _gcn_conv(x, edge_index, W, b):
    # PyG-style GCNConv: h = X W, add self-loops, symmetric normalization, scatter-add, + bias
    h = x @ W
    src = edge_index[0]
    dst = edge_index[1]
    loop = jnp.arange(N, dtype=src.dtype)
    src = jnp.concatenate([src, loop])
    dst = jnp.concatenate([dst, loop])
    deg = jnp.zeros((N,), dtype=x.dtype).at[dst].add(1.0)
    deg_inv_sqrt = jnp.where(deg > 0, 1.0 / jnp.sqrt(deg), 0.0)
    norm = deg_inv_sqrt[src] * deg_inv_sqrt[dst]
    msg = h[src] * norm[:, None]
    out = jnp.zeros((N, h.shape[1]), dtype=x.dtype).at[dst].add(msg)
    return out + b


def setup_inputs(seed: int = 0) -> dict:
    key = jax.random.key(seed)
    ks = jax.random.split(key, 6)
    x = jax.random.normal(ks[0], (N, D_IN), dtype=jnp.float32)
    edge_index = jax.random.randint(ks[1], (2, E), 0, N, dtype=jnp.int32)
    W1 = jax.random.normal(ks[2], (D_IN, D_HID), dtype=jnp.float32) * (1.0 / np.sqrt(D_IN))
    b1 = jnp.zeros((D_HID,), dtype=jnp.float32)
    W2 = jax.random.normal(ks[3], (D_HID, D_OUT), dtype=jnp.float32) * (1.0 / np.sqrt(D_HID))
    b2 = jnp.zeros((D_OUT,), dtype=jnp.float32)
    return {"x": x, "edge_index": edge_index, "W1": W1, "b1": b1, "W2": W2, "b2": b2}


def reference(x, edge_index, W1, b1, W2, b2):
    # Model.forward -> Encoder.forward with k=2: activation(conv_i(x, edge_index)) per layer
    h = jax.nn.relu(_gcn_conv(x, edge_index, W1, b1))
    out = jax.nn.relu(_gcn_conv(h, edge_index, W2, b2))
    return out

if __name__ == "__main__":
    import jax
    _d = setup_inputs()
    print(jax.jit(kernel)(*tuple(_d.values())))

</pallas_src>

<mosaic_0001>
#map = affine_map<(d0, d1) -> (0, 0)>
#map1 = affine_map<(d0, d1) -> (0, 0, 0, 0)>
#map2 = affine_map<(d0, d1) -> (0, 0, 0)>
module attributes {stable_mosaic.version = 14 : i64} {
  func.func @spmm(%arg0: i32, %arg1: i32, %arg2: memref<10000x128xf32, #tpu.memory_space<hbm>>, %arg3: memref<2x16x125x80xi32, #tpu.memory_space<hbm>>, %arg4: memref<2x16x125x80xi32, #tpu.memory_space<hbm>>, %arg5: memref<10240x128xf32, #tpu.memory_space<hbm>>, %arg6: memref<2x10240x128xf32, #tpu.memory_space<hbm>>, %arg7: memref<125x80xi32, #tpu.memory_space<vmem>>, %arg8: memref<125x80xi32, #tpu.memory_space<vmem>>, %arg9: memref<80x128xf32, #tpu.memory_space<vmem>>, %arg10: memref<10240x128xf32, #tpu.memory_space<vmem_shared>>, %arg11: memref<!tpu.dma_semaphore, #tpu.memory_space<semaphore_mem>>) attributes {dimension_semantics = [#tpu.dimension_semantics<core_parallel>, #tpu.dimension_semantics<subcore_parallel>], iteration_bounds = array<i64: 2, 16>, scalar_prefetch = 0 : i64, scratch_operands = 5 : i64, tpu.core_type = #tpu.core_type<sc_vector_subcore>, window_params = [{transform_indices = #map}, {transform_indices = #map1}, {transform_indices = #map1}, {transform_indices = #map}, {transform_indices = #map2}]} {
    %mul3A = arith.constant 640 : i32
    %mul3A_0 = arith.muli %arg1, %mul3A : i32
    %mul3A_1 = arith.constant 640 : i32
    %mul3A_2 = arith.muli %arg1, %mul3A_1 : i32
    "tpu.region"() ({
      %run_scoped3A = tpu.sem_alloc : memref<!tpu.dma_semaphore, #tpu.memory_space<semaphore_mem>>
      %dma_start3A = arith.constant 0 : i32
      %dma_start3A_13 = tpu.memref_slice %arg10[%mul3A_2, %dma_start3A] : memref<10240x128xf32, #tpu.memory_space<vmem_shared>> -> memref<640x128xf32, #tpu.memory_space<vmem_shared>>
      %dma_start3A_14 = arith.constant 0 : i32
      %dma_start3A_15 = tpu.memref_slice %arg5[%mul3A_0, %dma_start3A_14] : memref<10240x128xf32, #tpu.memory_space<hbm>> -> memref<640x128xf32, #tpu.memory_space<hbm>>
      tpu.enqueue_dma source(%dma_start3A_15 : memref<640x128xf32, #tpu.memory_space<hbm>>) target(%dma_start3A_13 : memref<640x128xf32, #tpu.memory_space<vmem_shared>>) target_semaphore(%run_scoped3A : memref<!tpu.dma_semaphore, #tpu.memory_space<semaphore_mem>>)
      %dma_wait3A = arith.constant 0 : i32
      %dma_wait3A_16 = tpu.memref_slice %arg10[%mul3A_2, %dma_wait3A] : memref<10240x128xf32, #tpu.memory_space<vmem_shared>> -> memref<640x128xf32, #tpu.memory_space<vmem_shared>>
      %dma_wait3A_17 = arith.constant 0 : i32
      %dma_wait3A_18 = tpu.memref_slice %arg5[%mul3A_0, %dma_wait3A_17] : memref<10240x128xf32, #tpu.memory_space<hbm>> -> memref<640x128xf32, #tpu.memory_space<hbm>>
      tpu.wait_dma2 semaphore(%run_scoped3A : memref<!tpu.dma_semaphore, #tpu.memory_space<semaphore_mem>>) src(%dma_wait3A_18 : memref<640x128xf32, #tpu.memory_space<hbm>>) dst(%dma_wait3A_16 : memref<640x128xf32, #tpu.memory_space<vmem_shared>>)
      tpu.yield
    }) : () -> ()
    "tpu.region"() ({
      %run_scoped3A = tpu.sem_alloc : memref<!tpu.dma_semaphore, #tpu.memory_space<semaphore_mem>>
      %dma_start3A = arith.constant 0 : i32
      %dma_start3A_13 = arith.constant 0 : i32
      %dma_start3A_14 = tpu.memref_slice %arg3[%arg0, %arg1, %dma_start3A, %dma_start3A_13] : memref<2x16x125x80xi32, #tpu.memory_space<hbm>> -> memref<1x1x125x80xi32, #tpu.memory_space<hbm>>
      %dma_start3A_15 = tpu.memref_squeeze %dma_start3A_14 : memref<1x1x125x80xi32, #tpu.memory_space<hbm>> -> memref<125x80xi32, #tpu.memory_space<hbm>>
      %dma_start3A_16 = arith.constant 0 : i32
      %dma_start3A_17 = arith.constant 0 : i32
      %dma_start3A_18 = tpu.memref_slice %arg3[%arg0, %arg1, %dma_start3A_16, %dma_start3A_17] : memref<2x16x125x80xi32, #tpu.memory_space<hbm>> -> memref<1x1x125x80xi32, #tpu.memory_space<hbm>>
      %dma_start3A_19 = tpu.memref_squeeze %dma_start3A_18 : memref<1x1x125x80xi32, #tpu.memory_space<hbm>> -> memref<125x80xi32, #tpu.memory_space<hbm>>
      tpu.enqueue_dma source(%dma_start3A_19 : memref<125x80xi32, #tpu.memory_space<hbm>>) target(%arg7 : memref<125x80xi32, #tpu.memory_space<vmem>>) target_semaphore(%run_scoped3A : memref<!tpu.dma_semaphore, #tpu.memory_space<semaphore_mem>>)
      %dma_wait3A = arith.constant 0 : i32
      %dma_wait3A_20 = arith.constant 0 : i32
      %dma_wait3A_21 = tpu.memref_slice %arg3[%arg0, %arg1, %dma_wait3A, %dma_wait3A_20] : memref<2x16x125x80xi32, #tpu.memory_space<hbm>> -> memref<1x1x125x80xi32, #tpu.memory_space<hbm>>
      %dma_wait3A_22 = tpu.memref_squeeze %dma_wait3A_21 : memref<1x1x125x80xi32, #tpu.memory_space<hbm>> -> memref<125x80xi32, #tpu.memory_space<hbm>>
      %dma_wait3A_23 = arith.constant 0 : i32
      %dma_wait3A_24 = arith.constant 0 : i32
      %dma_wait3A_25 = tpu.memref_slice %arg3[%arg0, %arg1, %dma_wait3A_23, %dma_wait3A_24] : memref<2x16x125x80xi32, #tpu.memory_space<hbm>> -> memref<1x1x125x80xi32, #tpu.memory_space<hbm>>
      %dma_wait3A_26 = tpu.memref_squeeze %dma_wait3A_25 : memref<1x1x125x80xi32, #tpu.memory_space<hbm>> -> memref<125x80xi32, #tpu.memory_space<hbm>>
      tpu.wait_dma2 semaphore(%run_scoped3A : memref<!tpu.dma_semaphore, #tpu.memory_space<semaphore_mem>>) src(%dma_wait3A_26 : memref<125x80xi32, #tpu.memory_space<hbm>>) dst(%arg7 : memref<125x80xi32, #tpu.memory_space<vmem>>)
      tpu.yield
    }) : () -> ()
    "tpu.region"() ({
      %run_scoped3A = tpu.sem_alloc : memref<!tpu.dma_semaphore, #tpu.memory_space<semaphore_mem>>
      %dma_start3A = arith.constant 0 : i32
      %dma_start3A_13 = arith.constant 0 : i32
      %dma_start3A_14 = tpu.memref_slice %arg4[%arg0, %arg1, %dma_start3A, %dma_start3A_13] : memref<2x16x125x80xi32, #tpu.memory_space<hbm>> -> memref<1x1x125x80xi32, #tpu.memory_space<hbm>>
      %dma_start3A_15 = tpu.memref_squeeze %dma_start3A_14 : memref<1x1x125x80xi32, #tpu.memory_space<hbm>> -> memref<125x80xi32, #tpu.memory_space<hbm>>
      %dma_start3A_16 = arith.constant 0 : i32
      %dma_start3A_17 = arith.constant 0 : i32
      %dma_start3A_18 = tpu.memref_slice %arg4[%arg0, %arg1, %dma_start3A_16, %dma_start3A_17] : memref<2x16x125x80xi32, #tpu.memory_space<hbm>> -> memref<1x1x125x80xi32, #tpu.memory_space<hbm>>
      %dma_start3A_19 = tpu.memref_squeeze %dma_start3A_18 : memref<1x1x125x80xi32, #tpu.memory_space<hbm>> -> memref<125x80xi32, #tpu.memory_space<hbm>>
      tpu.enqueue_dma source(%dma_start3A_19 : memref<125x80xi32, #tpu.memory_space<hbm>>) target(%arg8 : memref<125x80xi32, #tpu.memory_space<vmem>>) target_semaphore(%run_scoped3A : memref<!tpu.dma_semaphore, #tpu.memory_space<semaphore_mem>>)
      %dma_wait3A = arith.constant 0 : i32
      %dma_wait3A_20 = arith.constant 0 : i32
      %dma_wait3A_21 = tpu.memref_slice %arg4[%arg0, %arg1, %dma_wait3A, %dma_wait3A_20] : memref<2x16x125x80xi32, #tpu.memory_space<hbm>> -> memref<1x1x125x80xi32, #tpu.memory_space<hbm>>
      %dma_wait3A_22 = tpu.memref_squeeze %dma_wait3A_21 : memref<1x1x125x80xi32, #tpu.memory_space<hbm>> -> memref<125x80xi32, #tpu.memory_space<hbm>>
      %dma_wait3A_23 = arith.constant 0 : i32
      %dma_wait3A_24 = arith.constant 0 : i32
      %dma_wait3A_25 = tpu.memref_slice %arg4[%arg0, %arg1, %dma_wait3A_23, %dma_wait3A_24] : memref<2x16x125x80xi32, #tpu.memory_space<hbm>> -> memref<1x1x125x80xi32, #tpu.memory_space<hbm>>
      %dma_wait3A_26 = tpu.memref_squeeze %dma_wait3A_25 : memref<1x1x125x80xi32, #tpu.memory_space<hbm>> -> memref<125x80xi32, #tpu.memory_space<hbm>>
      tpu.wait_dma2 semaphore(%run_scoped3A : memref<!tpu.dma_semaphore, #tpu.memory_space<semaphore_mem>>) src(%dma_wait3A_26 : memref<125x80xi32, #tpu.memory_space<hbm>>) dst(%arg8 : memref<125x80xi32, #tpu.memory_space<vmem>>)
      tpu.yield
    }) : () -> ()
    %barrier3A = arith.constant 0 : index
    tpu.barrier barrier_id(%barrier3A)
    %scan3A = arith.constant 0 : i32
    %scan3A_3 = arith.constant 0 : i32
    %scan3A_4 = arith.constant 125 : i32
    %scan3A_5 = arith.addi %scan3A_3, %scan3A_4 : i32
    %scan3A_6 = arith.constant 1 : i32
    scf.for %scan3A_13 = %scan3A_3 to %scan3A_5 step %scan3A_6  : i32 {
      %dma_start3A = arith.constant 0 : i32
      %dma_start3A_14 = tpu.memref_slice %arg7[%scan3A_13, %dma_start3A] : memref<125x80xi32, #tpu.memory_space<vmem>> -> memref<1x80xi32, #tpu.memory_space<vmem>>
      %dma_start3A_15 = tpu.memref_squeeze %dma_start3A_14 : memref<1x80xi32, #tpu.memory_space<vmem>> -> memref<80xi32, #tpu.memory_space<vmem>>
      %dma_start3A_16 = arith.constant 0 : i32
      %dma_start3A_17 = arith.constant 0 : i32
      %dma_start3A_18 = tpu.memref_slice %arg2[%dma_start3A_16, %dma_start3A_17] : memref<10000x128xf32, #tpu.memory_space<hbm>> -> memref<10000x128xf32, #tpu.memory_space<hbm>>
      tpu.enqueue_indirect_dma source(%dma_start3A_18 : memref<10000x128xf32, #tpu.memory_space<hbm>>) target(%arg9 : memref<80x128xf32, #tpu.memory_space<vmem>>) offsets(%dma_start3A_15 : memref<80xi32, #tpu.memory_space<vmem>>) semaphore(%arg11 : memref<!tpu.dma_semaphore, #tpu.memory_space<semaphore_mem>>)
      %dma_wait3A = arith.constant 0 : i32
      %dma_wait3A_19 = tpu.memref_slice %arg7[%scan3A_13, %dma_wait3A] : memref<125x80xi32, #tpu.memory_space<vmem>> -> memref<1x80xi32, #tpu.memory_space<vmem>>
      %dma_wait3A_20 = tpu.memref_squeeze %dma_wait3A_19 : memref<1x80xi32, #tpu.memory_space<vmem>> -> memref<80xi32, #tpu.memory_space<vmem>>
      %dma_wait3A_21 = arith.constant 0 : i32
      %dma_wait3A_22 = arith.constant 0 : i32
      %dma_wait3A_23 = tpu.memref_slice %arg2[%dma_wait3A_21, %dma_wait3A_22] : memref<10000x128xf32, #tpu.memory_space<hbm>> -> memref<10000x128xf32, #tpu.memory_space<hbm>>
      tpu.wait_indirect_dma semaphore(%arg11 : memref<!tpu.dma_semaphore, #tpu.memory_space<semaphore_mem>>) src(%dma_wait3A_23 : memref<10000x128xf32, #tpu.memory_space<hbm>>) dst(%arg9 : memref<80x128xf32, #tpu.memory_space<vmem>>)
      "tpu.region"() ({
        %run_scoped3A = tpu.sem_alloc : memref<!tpu.dma_semaphore, #tpu.memory_space<semaphore_mem>>
        %dma_start3A_24 = arith.constant 0 : i32
        %dma_start3A_25 = tpu.memref_slice %arg8[%scan3A_13, %dma_start3A_24] : memref<125x80xi32, #tpu.memory_space<vmem>> -> memref<1x80xi32, #tpu.memory_space<vmem>>
        %dma_start3A_26 = tpu.memref_squeeze %dma_start3A_25 : memref<1x80xi32, #tpu.memory_space<vmem>> -> memref<80xi32, #tpu.memory_space<vmem>>
        %dma_start3A_27 = arith.constant 0 : i32
        %dma_start3A_28 = arith.constant 0 : i32
        %dma_start3A_29 = tpu.memref_slice %arg10[%dma_start3A_27, %dma_start3A_28] : memref<10240x128xf32, #tpu.memory_space<vmem_shared>> -> memref<10240x128xf32, #tpu.memory_space<vmem_shared>>
        tpu.enqueue_indirect_dma source(%arg9 : memref<80x128xf32, #tpu.memory_space<vmem>>) target(%dma_start3A_29 : memref<10240x128xf32, #tpu.memory_space<vmem_shared>>) offsets(%dma_start3A_26 : memref<80xi32, #tpu.memory_space<vmem>>) semaphore(%run_scoped3A : memref<!tpu.dma_semaphore, #tpu.memory_space<semaphore_mem>>) {add = true}
        %dma_wait3A_30 = arith.constant 0 : i32
        %dma_wait3A_31 = tpu.memref_slice %arg8[%scan3A_13, %dma_wait3A_30] : memref<125x80xi32, #tpu.memory_space<vmem>> -> memref<1x80xi32, #tpu.memory_space<vmem>>
        %dma_wait3A_32 = tpu.memref_squeeze %dma_wait3A_31 : memref<1x80xi32, #tpu.memory_space<vmem>> -> memref<80xi32, #tpu.memory_space<vmem>>
        %dma_wait3A_33 = arith.constant 0 : i32
        %dma_wait3A_34 = arith.constant 0 : i32
        %dma_wait3A_35 = tpu.memref_slice %arg10[%dma_wait3A_33, %dma_wait3A_34] : memref<10240x128xf32, #tpu.memory_space<vmem_shared>> -> memref<10240x128xf32, #tpu.memory_space<vmem_shared>>
        tpu.wait_indirect_dma semaphore(%run_scoped3A : memref<!tpu.dma_semaphore, #tpu.memory_space<semaphore_mem>>) src(%arg9 : memref<80x128xf32, #tpu.memory_space<vmem>>) dst(%dma_wait3A_35 : memref<10240x128xf32, #tpu.memory_space<vmem_shared>>)
        tpu.yield
      }) : () -> ()
    }
    %scan3A_7 = arith.constant 125 : i32
    %barrier3A_8 = arith.constant 0 : index
    tpu.barrier barrier_id(%barrier3A_8)
    %mul3A_9 = arith.constant 640 : i32
    %mul3A_10 = arith.muli %arg1, %mul3A_9 : i32
    %mul3A_11 = arith.constant 640 : i32
    %mul3A_12 = arith.muli %arg1, %mul3A_11 : i32
    "tpu.region"() ({
      %run_scoped3A = tpu.sem_alloc : memref<!tpu.dma_semaphore, #tpu.memory_space<semaphore_mem>>
      %dma_start3A = arith.constant 0 : i32
      %dma_start3A_13 = tpu.memref_slice %arg6[%arg0, %mul3A_12, %dma_start3A] : memref<2x10240x128xf32, #tpu.memory_space<hbm>> -> memref<1x640x128xf32, #tpu.memory_space<hbm>>
      %dma_start3A_14 = tpu.memref_squeeze %dma_start3A_13 : memref<1x640x128xf32, #tpu.memory_space<hbm>> -> memref<640x128xf32, #tpu.memory_space<hbm>>
      %dma_start3A_15 = arith.constant 0 : i32
      %dma_start3A_16 = tpu.memref_slice %arg10[%mul3A_10, %dma_start3A_15] : memref<10240x128xf32, #tpu.memory_space<vmem_shared>> -> memref<640x128xf32, #tpu.memory_space<vmem_shared>>
      tpu.enqueue_dma source(%dma_start3A_16 : memref<640x128xf32, #tpu.memory_space<vmem_shared>>) target(%dma_start3A_14 : memref<640x128xf32, #tpu.memory_space<hbm>>) target_semaphore(%run_scoped3A : memref<!tpu.dma_semaphore, #tpu.memory_space<semaphore_mem>>)
      %dma_wait3A = arith.constant 0 : i32
      %dma_wait3A_17 = tpu.memref_slice %arg6[%arg0, %mul3A_12, %dma_wait3A] : memref<2x10240x128xf32, #tpu.memory_space<hbm>> -> memref<1x640x128xf32, #tpu.memory_space<hbm>>
      %dma_wait3A_18 = tpu.memref_squeeze %dma_wait3A_17 : memref<1x640x128xf32, #tpu.memory_space<hbm>> -> memref<640x128xf32, #tpu.memory_space<hbm>>
      %dma_wait3A_19 = arith.constant 0 : i32
      %dma_wait3A_20 = tpu.memref_slice %arg10[%mul3A_10, %dma_wait3A_19] : memref<10240x128xf32, #tpu.memory_space<vmem_shared>> -> memref<640x128xf32, #tpu.memory_space<vmem_shared>>
      tpu.wait_dma2 semaphore(%run_scoped3A : memref<!tpu.dma_semaphore, #tpu.memory_space<semaphore_mem>>) src(%dma_wait3A_20 : memref<640x128xf32, #tpu.memory_space<vmem_shared>>) dst(%dma_wait3A_18 : memref<640x128xf32, #tpu.memory_space<hbm>>)
      tpu.yield
    }) : () -> ()
    return
  }
}

#map = affine_map<(d0, d1) -> (0, 0)>
#map1 = affine_map<(d0, d1) -> (0, 0, 0, 0)>
#map2 = affine_map<(d0, d1) -> (0, 0, 0)>
module attributes {stable_mosaic.version = 14 : i64} {
  func.func @spmm(%arg0: i32, %arg1: i32, %arg2: memref<10000x128xf32, #tpu.memory_space<hbm>>, %arg3: memref<2x16x125x80xi32, #tpu.memory_space<hbm>>, %arg4: memref<2x16x125x80xi32, #tpu.memory_space<hbm>>, %arg5: memref<10240x128xf32, #tpu.memory_space<hbm>>, %arg6: memref<2x10240x128xf32, #tpu.memory_space<hbm>>, %arg7: memref<125x80xi32, #tpu.memory_space<vmem>>, %arg8: memref<125x80xi32, #tpu.memory_space<vmem>>, %arg9: memref<80x128xf32, #tpu.memory_space<vmem>>, %arg10: memref<10240x128xf32, #tpu.memory_space<vmem_shared>>, %arg11: memref<!tpu.dma_semaphore, #tpu.memory_space<semaphore_mem>>) attributes {dimension_semantics = [#tpu.dimension_semantics<core_parallel>, #tpu.dimension_semantics<subcore_parallel>], iteration_bounds = array<i64: 2, 16>, scalar_prefetch = 0 : i64, scratch_operands = 5 : i64, tpu.core_type = #tpu.core_type<sc_vector_subcore>, window_params = [{transform_indices = #map}, {transform_indices = #map1}, {transform_indices = #map1}, {transform_indices = #map}, {transform_indices = #map2}]} {
    %mul3A = arith.constant 640 : i32
    %mul3A_0 = arith.muli %arg1, %mul3A : i32
    %mul3A_1 = arith.constant 640 : i32
    %mul3A_2 = arith.muli %arg1, %mul3A_1 : i32
    "tpu.region"() ({
      %run_scoped3A = tpu.sem_alloc : memref<!tpu.dma_semaphore, #tpu.memory_space<semaphore_mem>>
      %dma_start3A = arith.constant 0 : i32
      %dma_start3A_13 = tpu.memref_slice %arg10[%mul3A_2, %dma_start3A] : memref<10240x128xf32, #tpu.memory_space<vmem_shared>> -> memref<640x128xf32, #tpu.memory_space<vmem_shared>>
      %dma_start3A_14 = arith.constant 0 : i32
      %dma_start3A_15 = tpu.memref_slice %arg5[%mul3A_0, %dma_start3A_14] : memref<10240x128xf32, #tpu.memory_space<hbm>> -> memref<640x128xf32, #tpu.memory_space<hbm>>
      tpu.enqueue_dma source(%dma_start3A_15 : memref<640x128xf32, #tpu.memory_space<hbm>>) target(%dma_start3A_13 : memref<640x128xf32, #tpu.memory_space<vmem_shared>>) target_semaphore(%run_scoped3A : memref<!tpu.dma_semaphore, #tpu.memory_space<semaphore_mem>>)
      %dma_wait3A = arith.constant 0 : i32
      %dma_wait3A_16 = tpu.memref_slice %arg10[%mul3A_2, %dma_wait3A] : memref<10240x128xf32, #tpu.memory_space<vmem_shared>> -> memref<640x128xf32, #tpu.memory_space<vmem_shared>>
      %dma_wait3A_17 = arith.constant 0 : i32
      %dma_wait3A_18 = tpu.memref_slice %arg5[%mul3A_0, %dma_wait3A_17] : memref<10240x128xf32, #tpu.memory_space<hbm>> -> memref<640x128xf32, #tpu.memory_space<hbm>>
      tpu.wait_dma2 semaphore(%run_scoped3A : memref<!tpu.dma_semaphore, #tpu.memory_space<semaphore_mem>>) src(%dma_wait3A_18 : memref<640x128xf32, #tpu.memory_space<hbm>>) dst(%dma_wait3A_16 : memref<640x128xf32, #tpu.memory_space<vmem_shared>>)
      tpu.yield
    }) : () -> ()
    "tpu.region"() ({
      %run_scoped3A = tpu.sem_alloc : memref<!tpu.dma_semaphore, #tpu.memory_space<semaphore_mem>>
      %dma_start3A = arith.constant 0 : i32
      %dma_start3A_13 = arith.constant 0 : i32
      %dma_start3A_14 = tpu.memref_slice %arg3[%arg0, %arg1, %dma_start3A, %dma_start3A_13] : memref<2x16x125x80xi32, #tpu.memory_space<hbm>> -> memref<1x1x125x80xi32, #tpu.memory_space<hbm>>
      %dma_start3A_15 = tpu.memref_squeeze %dma_start3A_14 : memref<1x1x125x80xi32, #tpu.memory_space<hbm>> -> memref<125x80xi32, #tpu.memory_space<hbm>>
      %dma_start3A_16 = arith.constant 0 : i32
      %dma_start3A_17 = arith.constant 0 : i32
      %dma_start3A_18 = tpu.memref_slice %arg3[%arg0, %arg1, %dma_start3A_16, %dma_start3A_17] : memref<2x16x125x80xi32, #tpu.memory_space<hbm>> -> memref<1x1x125x80xi32, #tpu.memory_space<hbm>>
      %dma_start3A_19 = tpu.memref_squeeze %dma_start3A_18 : memref<1x1x125x80xi32, #tpu.memory_space<hbm>> -> memref<125x80xi32, #tpu.memory_space<hbm>>
      tpu.enqueue_dma source(%dma_start3A_19 : memref<125x80xi32, #tpu.memory_space<hbm>>) target(%arg7 : memref<125x80xi32, #tpu.memory_space<vmem>>) target_semaphore(%run_scoped3A : memref<!tpu.dma_semaphore, #tpu.memory_space<semaphore_mem>>)
      %dma_wait3A = arith.constant 0 : i32
      %dma_wait3A_20 = arith.constant 0 : i32
      %dma_wait3A_21 = tpu.memref_slice %arg3[%arg0, %arg1, %dma_wait3A, %dma_wait3A_20] : memref<2x16x125x80xi32, #tpu.memory_space<hbm>> -> memref<1x1x125x80xi32, #tpu.memory_space<hbm>>
      %dma_wait3A_22 = tpu.memref_squeeze %dma_wait3A_21 : memref<1x1x125x80xi32, #tpu.memory_space<hbm>> -> memref<125x80xi32, #tpu.memory_space<hbm>>
      %dma_wait3A_23 = arith.constant 0 : i32
      %dma_wait3A_24 = arith.constant 0 : i32
      %dma_wait3A_25 = tpu.memref_slice %arg3[%arg0, %arg1, %dma_wait3A_23, %dma_wait3A_24] : memref<2x16x125x80xi32, #tpu.memory_space<hbm>> -> memref<1x1x125x80xi32, #tpu.memory_space<hbm>>
      %dma_wait3A_26 = tpu.memref_squeeze %dma_wait3A_25 : memref<1x1x125x80xi32, #tpu.memory_space<hbm>> -> memref<125x80xi32, #tpu.memory_space<hbm>>
      tpu.wait_dma2 semaphore(%run_scoped3A : memref<!tpu.dma_semaphore, #tpu.memory_space<semaphore_mem>>) src(%dma_wait3A_26 : memref<125x80xi32, #tpu.memory_space<hbm>>) dst(%arg7 : memref<125x80xi32, #tpu.memory_space<vmem>>)
      tpu.yield
    }) : () -> ()
    "tpu.region"() ({
      %run_scoped3A = tpu.sem_alloc : memref<!tpu.dma_semaphore, #tpu.memory_space<semaphore_mem>>
      %dma_start3A = arith.constant 0 : i32
      %dma_start3A_13 = arith.constant 0 : i32
      %dma_start3A_14 = tpu.memref_slice %arg4[%arg0, %arg1, %dma_start3A, %dma_start3A_13] : memref<2x16x125x80xi32, #tpu.memory_space<hbm>> -> memref<1x1x125x80xi32, #tpu.memory_space<hbm>>
      %dma_start3A_15 = tpu.memref_squeeze %dma_start3A_14 : memref<1x1x125x80xi32, #tpu.memory_space<hbm>> -> memref<125x80xi32, #tpu.memory_space<hbm>>
      %dma_start3A_16 = arith.constant 0 : i32
      %dma_start3A_17 = arith.constant 0 : i32
      %dma_start3A_18 = tpu.memref_slice %arg4[%arg0, %arg1, %dma_start3A_16, %dma_start3A_17] : memref<2x16x125x80xi32, #tpu.memory_space<hbm>> -> memref<1x1x125x80xi32, #tpu.memory_space<hbm>>
      %dma_start3A_19 = tpu.memref_squeeze %dma_start3A_18 : memref<1x1x125x80xi32, #tpu.memory_space<hbm>> -> memref<125x80xi32, #tpu.memory_space<hbm>>
      tpu.enqueue_dma source(%dma_start3A_19 : memref<125x80xi32, #tpu.memory_space<hbm>>) target(%arg8 : memref<125x80xi32, #tpu.memory_space<vmem>>) target_semaphore(%run_scoped3A : memref<!tpu.dma_semaphore, #tpu.memory_space<semaphore_mem>>)
      %dma_wait3A = arith.constant 0 : i32
      %dma_wait3A_20 = arith.constant 0 : i32
      %dma_wait3A_21 = tpu.memref_slice %arg4[%arg0, %arg1, %dma_wait3A, %dma_wait3A_20] : memref<2x16x125x80xi32, #tpu.memory_space<hbm>> -> memref<1x1x125x80xi32, #tpu.memory_space<hbm>>
      %dma_wait3A_22 = tpu.memref_squeeze %dma_wait3A_21 : memref<1x1x125x80xi32, #tpu.memory_space<hbm>> -> memref<125x80xi32, #tpu.memory_space<hbm>>
      %dma_wait3A_23 = arith.constant 0 : i32
      %dma_wait3A_24 = arith.constant 0 : i32
      %dma_wait3A_25 = tpu.memref_slice %arg4[%arg0, %arg1, %dma_wait3A_23, %dma_wait3A_24] : memref<2x16x125x80xi32, #tpu.memory_space<hbm>> -> memref<1x1x125x80xi32, #tpu.memory_space<hbm>>
      %dma_wait3A_26 = tpu.memref_squeeze %dma_wait3A_25 : memref<1x1x125x80xi32, #tpu.memory_space<hbm>> -> memref<125x80xi32, #tpu.memory_space<hbm>>
      tpu.wait_dma2 semaphore(%run_scoped3A : memref<!tpu.dma_semaphore, #tpu.memory_space<semaphore_mem>>) src(%dma_wait3A_26 : memref<125x80xi32, #tpu.memory_space<hbm>>) dst(%arg8 : memref<125x80xi32, #tpu.memory_space<vmem>>)
      tpu.yield
    }) : () -> ()
    %barrier3A = arith.constant 0 : index
    tpu.barrier barrier_id(%barrier3A)
    %scan3A = arith.constant 0 : i32
    %scan3A_3 = arith.constant 0 : i32
    %scan3A_4 = arith.constant 125 : i32
    %scan3A_5 = arith.addi %scan3A_3, %scan3A_4 : i32
    %scan3A_6 = arith.constant 1 : i32
    scf.for %scan3A_13 = %scan3A_3 to %scan3A_5 step %scan3A_6  : i32 {
      %dma_start3A = arith.constant 0 : i32
      %dma_start3A_14 = tpu.memref_slice %arg7[%scan3A_13, %dma_start3A] : memref<125x80xi32, #tpu.memory_space<vmem>> -> memref<1x80xi32, #tpu.memory_space<vmem>>
      %dma_start3A_15 = tpu.memref_squeeze %dma_start3A_14 : memref<1x80xi32, #tpu.memory_space<vmem>> -> memref<80xi32, #tpu.memory_space<vmem>>
      %dma_start3A_16 = arith.constant 0 : i32
      %dma_start3A_17 = arith.constant 0 : i32
      %dma_start3A_18 = tpu.memref_slice %arg2[%dma_start3A_16, %dma_start3A_17] : memref<10000x128xf32, #tpu.memory_space<hbm>> -> memref<10000x128xf32, #tpu.memory_space<hbm>>
      tpu.enqueue_indirect_dma source(%dma_start3A_18 : memref<10000x128xf32, #tpu.memory_space<hbm>>) target(%arg9 : memref<80x128xf32, #tpu.memory_space<vmem>>) offsets(%dma_start3A_15 : memref<80xi32, #tpu.memory_space<vmem>>) semaphore(%arg11 : memref<!tpu.dma_semaphore, #tpu.memory_space<semaphore_mem>>)
      %dma_wait3A = arith.constant 0 : i32
      %dma_wait3A_19 = tpu.memref_slice %arg7[%scan3A_13, %dma_wait3A] : memref<125x80xi32, #tpu.memory_space<vmem>> -> memref<1x80xi32, #tpu.memory_space<vmem>>
      %dma_wait3A_20 = tpu.memref_squeeze %dma_wait3A_19 : memref<1x80xi32, #tpu.memory_space<vmem>> -> memref<80xi32, #tpu.memory_space<vmem>>
      %dma_wait3A_21 = arith.constant 0 : i32
      %dma_wait3A_22 = arith.constant 0 : i32
      %dma_wait3A_23 = tpu.memref_slice %arg2[%dma_wait3A_21, %dma_wait3A_22] : memref<10000x128xf32, #tpu.memory_space<hbm>> -> memref<10000x128xf32, #tpu.memory_space<hbm>>
      tpu.wait_indirect_dma semaphore(%arg11 : memref<!tpu.dma_semaphore, #tpu.memory_space<semaphore_mem>>) src(%dma_wait3A_23 : memref<10000x128xf32, #tpu.memory_space<hbm>>) dst(%arg9 : memref<80x128xf32, #tpu.memory_space<vmem>>)
      "tpu.region"() ({
        %run_scoped3A = tpu.sem_alloc : memref<!tpu.dma_semaphore, #tpu.memory_space<semaphore_mem>>
        %dma_start3A_24 = arith.constant 0 : i32
        %dma_start3A_25 = tpu.memref_slice %arg8[%scan3A_13, %dma_start3A_24] : memref<125x80xi32, #tpu.memory_space<vmem>> -> memref<1x80xi32, #tpu.memory_space<vmem>>
        %dma_start3A_26 = tpu.memref_squeeze %dma_start3A_25 : memref<1x80xi32, #tpu.memory_space<vmem>> -> memref<80xi32, #tpu.memory_space<vmem>>
        %dma_start3A_27 = arith.constant 0 : i32
        %dma_start3A_28 = arith.constant 0 : i32
        %dma_start3A_29 = tpu.memref_slice %arg10[%dma_start3A_27, %dma_start3A_28] : memref<10240x128xf32, #tpu.memory_space<vmem_shared>> -> memref<10240x128xf32, #tpu.memory_space<vmem_shared>>
        tpu.enqueue_indirect_dma source(%arg9 : memref<80x128xf32, #tpu.memory_space<vmem>>) target(%dma_start3A_29 : memref<10240x128xf32, #tpu.memory_space<vmem_shared>>) offsets(%dma_start3A_26 : memref<80xi32, #tpu.memory_space<vmem>>) semaphore(%run_scoped3A : memref<!tpu.dma_semaphore, #tpu.memory_space<semaphore_mem>>) {add = true}
        %dma_wait3A_30 = arith.constant 0 : i32
        %dma_wait3A_31 = tpu.memref_slice %arg8[%scan3A_13, %dma_wait3A_30] : memref<125x80xi32, #tpu.memory_space<vmem>> -> memref<1x80xi32, #tpu.memory_space<vmem>>
        %dma_wait3A_32 = tpu.memref_squeeze %dma_wait3A_31 : memref<1x80xi32, #tpu.memory_space<vmem>> -> memref<80xi32, #tpu.memory_space<vmem>>
        %dma_wait3A_33 = arith.constant 0 : i32
        %dma_wait3A_34 = arith.constant 0 : i32
        %dma_wait3A_35 = tpu.memref_slice %arg10[%dma_wait3A_33, %dma_wait3A_34] : memref<10240x128xf32, #tpu.memory_space<vmem_shared>> -> memref<10240x128xf32, #tpu.memory_space<vmem_shared>>
        tpu.wait_indirect_dma semaphore(%run_scoped3A : memref<!tpu.dma_semaphore, #tpu.memory_space<semaphore_mem>>) src(%arg9 : memref<80x128xf32, #tpu.memory_space<vmem>>) dst(%dma_wait3A_35 : memref<10240x128xf32, #tpu.memory_space<vmem_shared>>)
        tpu.yield
      }) : () -> ()
    }
    %scan3A_7 = arith.constant 125 : i32
    %barrier3A_8 = arith.constant 0 : index
    tpu.barrier barrier_id(%barrier3A_8)
    %mul3A_9 = arith.constant 640 : i32
    %mul3A_10 = arith.muli %arg1, %mul3A_9 : i32
    %mul3A_11 = arith.constant 640 : i32
    %mul3A_12 = arith.muli %arg1, %mul3A_11 : i32
    "tpu.region"() ({
      %run_scoped3A = tpu.sem_alloc : memref<!tpu.dma_semaphore, #tpu.memory_space<semaphore_mem>>
      %dma_start3A = arith.constant 0 : i32
      %dma_start3A_13 = tpu.memref_slice %arg6[%arg0, %mul3A_12, %dma_start3A] : memref<2x10240x128xf32, #tpu.memory_space<hbm>> -> memref<1x640x128xf32, #tpu.memory_space<hbm>>
      %dma_start3A_14 = tpu.memref_squeeze %dma_start3A_13 : memref<1x640x128xf32, #tpu.memory_space<hbm>> -> memref<640x128xf32, #tpu.memory_space<hbm>>
      %dma_start3A_15 = arith.constant 0 : i32
      %dma_start3A_16 = tpu.memref_slice %arg10[%mul3A_10, %dma_start3A_15] : memref<10240x128xf32, #tpu.memory_space<vmem_shared>> -> memref<640x128xf32, #tpu.memory_space<vmem_shared>>
      tpu.enqueue_dma source(%dma_start3A_16 : memref<640x128xf32, #tpu.memory_space<vmem_shared>>) target(%dma_start3A_14 : memref<640x128xf32, #tpu.memory_space<hbm>>) target_semaphore(%run_scoped3A : memref<!tpu.dma_semaphore, #tpu.memory_space<semaphore_mem>>)
      %dma_wait3A = arith.constant 0 : i32
      %dma_wait3A_17 = tpu.memref_slice %arg6[%arg0, %mul3A_12, %dma_wait3A] : memref<2x10240x128xf32, #tpu.memory_space<hbm>> -> memref<1x640x128xf32, #tpu.memory_space<hbm>>
      %dma_wait3A_18 = tpu.memref_squeeze %dma_wait3A_17 : memref<1x640x128xf32, #tpu.memory_space<hbm>> -> memref<640x128xf32, #tpu.memory_space<hbm>>
      %dma_wait3A_19 = arith.constant 0 : i32
      %dma_wait3A_20 = tpu.memref_slice %arg10[%mul3A_10, %dma_wait3A_19] : memref<10240x128xf32, #tpu.memory_space<vmem_shared>> -> memref<640x128xf32, #tpu.memory_space<vmem_shared>>
      tpu.wait_dma2 semaphore(%run_scoped3A : memref<!tpu.dma_semaphore, #tpu.memory_space<semaphore_mem>>) src(%dma_wait3A_20 : memref<640x128xf32, #tpu.memory_space<vmem_shared>>) dst(%dma_wait3A_18 : memref<640x128xf32, #tpu.memory_space<hbm>>)
      tpu.yield
    }) : () -> ()
    return
  }
}

#map = affine_map<(d0, d1) -> (0, 0)>
#map1 = affine_map<(d0, d1) -> (0, 0, 0, 0)>
#map2 = affine_map<(d0, d1) -> (0, 0, 0)>
module attributes {stable_mosaic.version = 14 : i64} {
  func.func @spmm(%arg0: i32, %arg1: i32, %arg2: memref<10000x128xf32, #tpu.memory_space<hbm>>, %arg3: memref<2x16x125x80xi32, #tpu.memory_space<hbm>>, %arg4: memref<2x16x125x80xi32, #tpu.memory_space<hbm>>, %arg5: memref<10240x128xf32, #tpu.memory_space<hbm>>, %arg6: memref<2x10240x128xf32, #tpu.memory_space<hbm>>, %arg7: memref<125x80xi32, #tpu.memory_space<vmem>>, %arg8: memref<125x80xi32, #tpu.memory_space<vmem>>, %arg9: memref<80x128xf32, #tpu.memory_space<vmem>>, %arg10: memref<10240x128xf32, #tpu.memory_space<vmem_shared>>, %arg11: memref<!tpu.dma_semaphore, #tpu.memory_space<semaphore_mem>>) attributes {dimension_semantics = [#tpu.dimension_semantics<core_parallel>, #tpu.dimension_semantics<subcore_parallel>], iteration_bounds = array<i64: 2, 16>, scalar_prefetch = 0 : i64, scratch_operands = 5 : i64, tpu.core_type = #tpu.core_type<sc_vector_subcore>, window_params = [{transform_indices = #map}, {transform_indices = #map1}, {transform_indices = #map1}, {transform_indices = #map}, {transform_indices = #map2}]} {
    %mul3A = arith.constant 640 : i32
    %mul3A_0 = arith.muli %arg1, %mul3A : i32
    %mul3A_1 = arith.constant 640 : i32
    %mul3A_2 = arith.muli %arg1, %mul3A_1 : i32
    "tpu.region"() ({
      %run_scoped3A = tpu.sem_alloc : memref<!tpu.dma_semaphore, #tpu.memory_space<semaphore_mem>>
      %dma_start3A = arith.constant 0 : i32
      %dma_start3A_13 = tpu.memref_slice %arg10[%mul3A_2, %dma_start3A] : memref<10240x128xf32, #tpu.memory_space<vmem_shared>> -> memref<640x128xf32, #tpu.memory_space<vmem_shared>>
      %dma_start3A_14 = arith.constant 0 : i32
      %dma_start3A_15 = tpu.memref_slice %arg5[%mul3A_0, %dma_start3A_14] : memref<10240x128xf32, #tpu.memory_space<hbm>> -> memref<640x128xf32, #tpu.memory_space<hbm>>
      tpu.enqueue_dma source(%dma_start3A_15 : memref<640x128xf32, #tpu.memory_space<hbm>>) target(%dma_start3A_13 : memref<640x128xf32, #tpu.memory_space<vmem_shared>>) target_semaphore(%run_scoped3A : memref<!tpu.dma_semaphore, #tpu.memory_space<semaphore_mem>>)
      %dma_wait3A = arith.constant 0 : i32
      %dma_wait3A_16 = tpu.memref_slice %arg10[%mul3A_2, %dma_wait3A] : memref<10240x128xf32, #tpu.memory_space<vmem_shared>> -> memref<640x128xf32, #tpu.memory_space<vmem_shared>>
      %dma_wait3A_17 = arith.constant 0 : i32
      %dma_wait3A_18 = tpu.memref_slice %arg5[%mul3A_0, %dma_wait3A_17] : memref<10240x128xf32, #tpu.memory_space<hbm>> -> memref<640x128xf32, #tpu.memory_space<hbm>>
      tpu.wait_dma2 semaphore(%run_scoped3A : memref<!tpu.dma_semaphore, #tpu.memory_space<semaphore_mem>>) src(%dma_wait3A_18 : memref<640x128xf32, #tpu.memory_space<hbm>>) dst(%dma_wait3A_16 : memref<640x128xf32, #tpu.memory_space<vmem_shared>>)
      tpu.yield
    }) : () -> ()
    "tpu.region"() ({
      %run_scoped3A = tpu.sem_alloc : memref<!tpu.dma_semaphore, #tpu.memory_space<semaphore_mem>>
      %dma_start3A = arith.constant 0 : i32
      %dma_start3A_13 = arith.constant 0 : i32
      %dma_start3A_14 = tpu.memref_slice %arg3[%arg0, %arg1, %dma_start3A, %dma_start3A_13] : memref<2x16x125x80xi32, #tpu.memory_space<hbm>> -> memref<1x1x125x80xi32, #tpu.memory_space<hbm>>
      %dma_start3A_15 = tpu.memref_squeeze %dma_start3A_14 : memref<1x1x125x80xi32, #tpu.memory_space<hbm>> -> memref<125x80xi32, #tpu.memory_space<hbm>>
      %dma_start3A_16 = arith.constant 0 : i32
      %dma_start3A_17 = arith.constant 0 : i32
      %dma_start3A_18 = tpu.memref_slice %arg3[%arg0, %arg1, %dma_start3A_16, %dma_start3A_17] : memref<2x16x125x80xi32, #tpu.memory_space<hbm>> -> memref<1x1x125x80xi32, #tpu.memory_space<hbm>>
      %dma_start3A_19 = tpu.memref_squeeze %dma_start3A_18 : memref<1x1x125x80xi32, #tpu.memory_space<hbm>> -> memref<125x80xi32, #tpu.memory_space<hbm>>
      tpu.enqueue_dma source(%dma_start3A_19 : memref<125x80xi32, #tpu.memory_space<hbm>>) target(%arg7 : memref<125x80xi32, #tpu.memory_space<vmem>>) target_semaphore(%run_scoped3A : memref<!tpu.dma_semaphore, #tpu.memory_space<semaphore_mem>>)
      %dma_wait3A = arith.constant 0 : i32
      %dma_wait3A_20 = arith.constant 0 : i32
      %dma_wait3A_21 = tpu.memref_slice %arg3[%arg0, %arg1, %dma_wait3A, %dma_wait3A_20] : memref<2x16x125x80xi32, #tpu.memory_space<hbm>> -> memref<1x1x125x80xi32, #tpu.memory_space<hbm>>
      %dma_wait3A_22 = tpu.memref_squeeze %dma_wait3A_21 : memref<1x1x125x80xi32, #tpu.memory_space<hbm>> -> memref<125x80xi32, #tpu.memory_space<hbm>>
      %dma_wait3A_23 = arith.constant 0 : i32
      %dma_wait3A_24 = arith.constant 0 : i32
      %dma_wait3A_25 = tpu.memref_slice %arg3[%arg0, %arg1, %dma_wait3A_23, %dma_wait3A_24] : memref<2x16x125x80xi32, #tpu.memory_space<hbm>> -> memref<1x1x125x80xi32, #tpu.memory_space<hbm>>
      %dma_wait3A_26 = tpu.memref_squeeze %dma_wait3A_25 : memref<1x1x125x80xi32, #tpu.memory_space<hbm>> -> memref<125x80xi32, #tpu.memory_space<hbm>>
      tpu.wait_dma2 semaphore(%run_scoped3A : memref<!tpu.dma_semaphore, #tpu.memory_space<semaphore_mem>>) src(%dma_wait3A_26 : memref<125x80xi32, #tpu.memory_space<hbm>>) dst(%arg7 : memref<125x80xi32, #tpu.memory_space<vmem>>)
      tpu.yield
    }) : () -> ()
    "tpu.region"() ({
      %run_scoped3A = tpu.sem_alloc : memref<!tpu.dma_semaphore, #tpu.memory_space<semaphore_mem>>
      %dma_start3A = arith.constant 0 : i32
      %dma_start3A_13 = arith.constant 0 : i32
      %dma_start3A_14 = tpu.memref_slice %arg4[%arg0, %arg1, %dma_start3A, %dma_start3A_13] : memref<2x16x125x80xi32, #tpu.memory_space<hbm>> -> memref<1x1x125x80xi32, #tpu.memory_space<hbm>>
      %dma_start3A_15 = tpu.memref_squeeze %dma_start3A_14 : memref<1x1x125x80xi32, #tpu.memory_space<hbm>> -> memref<125x80xi32, #tpu.memory_space<hbm>>
      %dma_start3A_16 = arith.constant 0 : i32
      %dma_start3A_17 = arith.constant 0 : i32
      %dma_start3A_18 = tpu.memref_slice %arg4[%arg0, %arg1, %dma_start3A_16, %dma_start3A_17] : memref<2x16x125x80xi32, #tpu.memory_space<hbm>> -> memref<1x1x125x80xi32, #tpu.memory_space<hbm>>
      %dma_start3A_19 = tpu.memref_squeeze %dma_start3A_18 : memref<1x1x125x80xi32, #tpu.memory_space<hbm>> -> memref<125x80xi32, #tpu.memory_space<hbm>>
      tpu.enqueue_dma source(%dma_start3A_19 : memref<125x80xi32, #tpu.memory_space<hbm>>) target(%arg8 : memref<125x80xi32, #tpu.memory_space<vmem>>) target_semaphore(%run_scoped3A : memref<!tpu.dma_semaphore, #tpu.memory_space<semaphore_mem>>)
      %dma_wait3A = arith.constant 0 : i32
      %dma_wait3A_20 = arith.constant 0 : i32
      %dma_wait3A_21 = tpu.memref_slice %arg4[%arg0, %arg1, %dma_wait3A, %dma_wait3A_20] : memref<2x16x125x80xi32, #tpu.memory_space<hbm>> -> memref<1x1x125x80xi32, #tpu.memory_space<hbm>>
      %dma_wait3A_22 = tpu.memref_squeeze %dma_wait3A_21 : memref<1x1x125x80xi32, #tpu.memory_space<hbm>> -> memref<125x80xi32, #tpu.memory_space<hbm>>
      %dma_wait3A_23 = arith.constant 0 : i32
      %dma_wait3A_24 = arith.constant 0 : i32
      %dma_wait3A_25 = tpu.memref_slice %arg4[%arg0, %arg1, %dma_wait3A_23, %dma_wait3A_24] : memref<2x16x125x80xi32, #tpu.memory_space<hbm>> -> memref<1x1x125x80xi32, #tpu.memory_space<hbm>>
      %dma_wait3A_26 = tpu.memref_squeeze %dma_wait3A_25 : memref<1x1x125x80xi32, #tpu.memory_space<hbm>> -> memref<125x80xi32, #tpu.memory_space<hbm>>
      tpu.wait_dma2 semaphore(%run_scoped3A : memref<!tpu.dma_semaphore, #tpu.memory_space<semaphore_mem>>) src(%dma_wait3A_26 : memref<125x80xi32, #tpu.memory_space<hbm>>) dst(%arg8 : memref<125x80xi32, #tpu.memory_space<vmem>>)
      tpu.yield
    }) : () -> ()
    %barrier3A = arith.constant 0 : index
    tpu.barrier barrier_id(%barrier3A)
    %scan3A = arith.constant 0 : i32
    %scan3A_3 = arith.constant 0 : i32
    %scan3A_4 = arith.constant 125 : i32
    %scan3A_5 = arith.addi %scan3A_3, %scan3A_4 : i32
    %scan3A_6 = arith.constant 1 : i32
    scf.for %scan3A_13 = %scan3A_3 to %scan3A_5 step %scan3A_6  : i32 {
      %dma_start3A = arith.constant 0 : i32
      %dma_start3A_14 = tpu.memref_slice %arg7[%scan3A_13, %dma_start3A] : memref<125x80xi32, #tpu.memory_space<vmem>> -> memref<1x80xi32, #tpu.memory_space<vmem>>
      %dma_start3A_15 = tpu.memref_squeeze %dma_start3A_14 : memref<1x80xi32, #tpu.memory_space<vmem>> -> memref<80xi32, #tpu.memory_space<vmem>>
      %dma_start3A_16 = arith.constant 0 : i32
      %dma_start3A_17 = arith.constant 0 : i32
      %dma_start3A_18 = tpu.memref_slice %arg2[%dma_start3A_16, %dma_start3A_17] : memref<10000x128xf32, #tpu.memory_space<hbm>> -> memref<10000x128xf32, #tpu.memory_space<hbm>>
      tpu.enqueue_indirect_dma source(%dma_start3A_18 : memref<10000x128xf32, #tpu.memory_space<hbm>>) target(%arg9 : memref<80x128xf32, #tpu.memory_space<vmem>>) offsets(%dma_start3A_15 : memref<80xi32, #tpu.memory_space<vmem>>) semaphore(%arg11 : memref<!tpu.dma_semaphore, #tpu.memory_space<semaphore_mem>>)
      %dma_wait3A = arith.constant 0 : i32
      %dma_wait3A_19 = tpu.memref_slice %arg7[%scan3A_13, %dma_wait3A] : memref<125x80xi32, #tpu.memory_space<vmem>> -> memref<1x80xi32, #tpu.memory_space<vmem>>
      %dma_wait3A_20 = tpu.memref_squeeze %dma_wait3A_19 : memref<1x80xi32, #tpu.memory_space<vmem>> -> memref<80xi32, #tpu.memory_space<vmem>>
      %dma_wait3A_21 = arith.constant 0 : i32
      %dma_wait3A_22 = arith.constant 0 : i32
      %dma_wait3A_23 = tpu.memref_slice %arg2[%dma_wait3A_21, %dma_wait3A_22] : memref<10000x128xf32, #tpu.memory_space<hbm>> -> memref<10000x128xf32, #tpu.memory_space<hbm>>
      tpu.wait_indirect_dma semaphore(%arg11 : memref<!tpu.dma_semaphore, #tpu.memory_space<semaphore_mem>>) src(%dma_wait3A_23 : memref<10000x128xf32, #tpu.memory_space<hbm>>) dst(%arg9 : memref<80x128xf32, #tpu.memory_space<vmem>>)
      "tpu.region"() ({
        %run_scoped3A = tpu.sem_alloc : memref<!tpu.dma_semaphore, #tpu.memory_space<semaphore_mem>>
        %dma_start3A_24 = arith.constant 0 : i32
        %dma_start3A_25 = tpu.memref_slice %arg8[%scan3A_13, %dma_start3A_24] : memref<125x80xi32, #tpu.memory_space<vmem>> -> memref<1x80xi32, #tpu.memory_space<vmem>>
        %dma_start3A_26 = tpu.memref_squeeze %dma_start3A_25 : memref<1x80xi32, #tpu.memory_space<vmem>> -> memref<80xi32, #tpu.memory_space<vmem>>
        %dma_start3A_27 = arith.constant 0 : i32
        %dma_start3A_28 = arith.constant 0 : i32
        %dma_start3A_29 = tpu.memref_slice %arg10[%dma_start3A_27, %dma_start3A_28] : memref<10240x128xf32, #tpu.memory_space<vmem_shared>> -> memref<10240x128xf32, #tpu.memory_space<vmem_shared>>
        tpu.enqueue_indirect_dma source(%arg9 : memref<80x128xf32, #tpu.memory_space<vmem>>) target(%dma_start3A_29 : memref<10240x128xf32, #tpu.memory_space<vmem_shared>>) offsets(%dma_start3A_26 : memref<80xi32, #tpu.memory_space<vmem>>) semaphore(%run_scoped3A : memref<!tpu.dma_semaphore, #tpu.memory_space<semaphore_mem>>) {add = true}
        %dma_wait3A_30 = arith.constant 0 : i32
        %dma_wait3A_31 = tpu.memref_slice %arg8[%scan3A_13, %dma_wait3A_30] : memref<125x80xi32, #tpu.memory_space<vmem>> -> memref<1x80xi32, #tpu.memory_space<vmem>>
        %dma_wait3A_32 = tpu.memref_squeeze %dma_wait3A_31 : memref<1x80xi32, #tpu.memory_space<vmem>> -> memref<80xi32, #tpu.memory_space<vmem>>
        %dma_wait3A_33 = arith.constant 0 : i32
        %dma_wait3A_34 = arith.constant 0 : i32
        %dma_wait3A_35 = tpu.memref_slice %arg10[%dma_wait3A_33, %dma_wait3A_34] : memref<10240x128xf32, #tpu.memory_space<vmem_shared>> -> memref<10240x128xf32, #tpu.memory_space<vmem_shared>>
        tpu.wait_indirect_dma semaphore(%run_scoped3A : memref<!tpu.dma_semaphore, #tpu.memory_space<semaphore_mem>>) src(%arg9 : memref<80x128xf32, #tpu.memory_space<vmem>>) dst(%dma_wait3A_35 : memref<10240x128xf32, #tpu.memory_space<vmem_shared>>)
        tpu.yield
      }) : () -> ()
    }
    %scan3A_7 = arith.constant 125 : i32
    %barrier3A_8 = arith.constant 0 : index
    tpu.barrier barrier_id(%barrier3A_8)
    %mul3A_9 = arith.constant 640 : i32
    %mul3A_10 = arith.muli %arg1, %mul3A_9 : i32
    %mul3A_11 = arith.constant 640 : i32
    %mul3A_12 = arith.muli %arg1, %mul3A_11 : i32
    "tpu.region"() ({
      %run_scoped3A = tpu.sem_alloc : memref<!tpu.dma_semaphore, #tpu.memory_space<semaphore_mem>>
      %dma_start3A = arith.constant 0 : i32
      %dma_start3A_13 = tpu.memref_slice %arg6[%arg0, %mul3A_12, %dma_start3A] : memref<2x10240x128xf32, #tpu.memory_space<hbm>> -> memref<1x640x128xf32, #tpu.memory_space<hbm>>
      %dma_start3A_14 = tpu.memref_squeeze %dma_start3A_13 : memref<1x640x128xf32, #tpu.memory_space<hbm>> -> memref<640x128xf32, #tpu.memory_space<hbm>>
      %dma_start3A_15 = arith.constant 0 : i32
      %dma_start3A_16 = tpu.memref_slice %arg10[%mul3A_10, %dma_start3A_15] : memref<10240x128xf32, #tpu.memory_space<vmem_shared>> -> memref<640x128xf32, #tpu.memory_space<vmem_shared>>
      tpu.enqueue_dma source(%dma_start3A_16 : memref<640x128xf32, #tpu.memory_space<vmem_shared>>) target(%dma_start3A_14 : memref<640x128xf32, #tpu.memory_space<hbm>>) target_semaphore(%run_scoped3A : memref<!tpu.dma_semaphore, #tpu.memory_space<semaphore_mem>>)
      %dma_wait3A = arith.constant 0 : i32
      %dma_wait3A_17 = tpu.memref_slice %arg6[%arg0, %mul3A_12, %dma_wait3A] : memref<2x10240x128xf32, #tpu.memory_space<hbm>> -> memref<1x640x128xf32, #tpu.memory_space<hbm>>
      %dma_wait3A_18 = tpu.memref_squeeze %dma_wait3A_17 : memref<1x640x128xf32, #tpu.memory_space<hbm>> -> memref<640x128xf32, #tpu.memory_space<hbm>>
      %dma_wait3A_19 = arith.constant 0 : i32
      %dma_wait3A_20 = tpu.memref_slice %arg10[%mul3A_10, %dma_wait3A_19] : memref<10240x128xf32, #tpu.memory_space<vmem_shared>> -> memref<640x128xf32, #tpu.memory_space<vmem_shared>>
      tpu.wait_dma2 semaphore(%run_scoped3A : memref<!tpu.dma_semaphore, #tpu.memory_space<semaphore_mem>>) src(%dma_wait3A_20 : memref<640x128xf32, #tpu.memory_space<vmem_shared>>) dst(%dma_wait3A_18 : memref<640x128xf32, #tpu.memory_space<hbm>>)
      tpu.yield
    }) : () -> ()
    return
  }
}

#map = affine_map<(d0, d1) -> (0, 0)>
#map1 = affine_map<(d0, d1) -> (0, 0, 0, 0)>
#map2 = affine_map<(d0, d1) -> (0, 0, 0)>
module attributes {stable_mosaic.version = 14 : i64} {
  func.func @spmm(%arg0: i32, %arg1: i32, %arg2: memref<10000x128xf32, #tpu.memory_space<hbm>>, %arg3: memref<2x16x125x80xi32, #tpu.memory_space<hbm>>, %arg4: memref<2x16x125x80xi32, #tpu.memory_space<hbm>>, %arg5: memref<10240x128xf32, #tpu.memory_space<hbm>>, %arg6: memref<2x10240x128xf32, #tpu.memory_space<hbm>>, %arg7: memref<125x80xi32, #tpu.memory_space<vmem>>, %arg8: memref<125x80xi32, #tpu.memory_space<vmem>>, %arg9: memref<80x128xf32, #tpu.memory_space<vmem>>, %arg10: memref<10240x128xf32, #tpu.memory_space<vmem_shared>>, %arg11: memref<!tpu.dma_semaphore, #tpu.memory_space<semaphore_mem>>) attributes {dimension_semantics = [#tpu.dimension_semantics<core_parallel>, #tpu.dimension_semantics<subcore_parallel>], iteration_bounds = array<i64: 2, 16>, scalar_prefetch = 0 : i64, scratch_operands = 5 : i64, tpu.core_type = #tpu.core_type<sc_vector_subcore>, window_params = [{transform_indices = #map}, {transform_indices = #map1}, {transform_indices = #map1}, {transform_indices = #map}, {transform_indices = #map2}]} {
    %mul3A = arith.constant 640 : i32
    %mul3A_0 = arith.muli %arg1, %mul3A : i32
    %mul3A_1 = arith.constant 640 : i32
    %mul3A_2 = arith.muli %arg1, %mul3A_1 : i32
    "tpu.region"() ({
      %run_scoped3A = tpu.sem_alloc : memref<!tpu.dma_semaphore, #tpu.memory_space<semaphore_mem>>
      %dma_start3A = arith.constant 0 : i32
      %dma_start3A_13 = tpu.memref_slice %arg10[%mul3A_2, %dma_start3A] : memref<10240x128xf32, #tpu.memory_space<vmem_shared>> -> memref<640x128xf32, #tpu.memory_space<vmem_shared>>
      %dma_start3A_14 = arith.constant 0 : i32
      %dma_start3A_15 = tpu.memref_slice %arg5[%mul3A_0, %dma_start3A_14] : memref<10240x128xf32, #tpu.memory_space<hbm>> -> memref<640x128xf32, #tpu.memory_space<hbm>>
      tpu.enqueue_dma source(%dma_start3A_15 : memref<640x128xf32, #tpu.memory_space<hbm>>) target(%dma_start3A_13 : memref<640x128xf32, #tpu.memory_space<vmem_shared>>) target_semaphore(%run_scoped3A : memref<!tpu.dma_semaphore, #tpu.memory_space<semaphore_mem>>)
      %dma_wait3A = arith.constant 0 : i32
      %dma_wait3A_16 = tpu.memref_slice %arg10[%mul3A_2, %dma_wait3A] : memref<10240x128xf32, #tpu.memory_space<vmem_shared>> -> memref<640x128xf32, #tpu.memory_space<vmem_shared>>
      %dma_wait3A_17 = arith.constant 0 : i32
      %dma_wait3A_18 = tpu.memref_slice %arg5[%mul3A_0, %dma_wait3A_17] : memref<10240x128xf32, #tpu.memory_space<hbm>> -> memref<640x128xf32, #tpu.memory_space<hbm>>
      tpu.wait_dma2 semaphore(%run_scoped3A : memref<!tpu.dma_semaphore, #tpu.memory_space<semaphore_mem>>) src(%dma_wait3A_18 : memref<640x128xf32, #tpu.memory_space<hbm>>) dst(%dma_wait3A_16 : memref<640x128xf32, #tpu.memory_space<vmem_shared>>)
      tpu.yield
    }) : () -> ()
    "tpu.region"() ({
      %run_scoped3A = tpu.sem_alloc : memref<!tpu.dma_semaphore, #tpu.memory_space<semaphore_mem>>
      %dma_start3A = arith.constant 0 : i32
      %dma_start3A_13 = arith.constant 0 : i32
      %dma_start3A_14 = tpu.memref_slice %arg3[%arg0, %arg1, %dma_start3A, %dma_start3A_13] : memref<2x16x125x80xi32, #tpu.memory_space<hbm>> -> memref<1x1x125x80xi32, #tpu.memory_space<hbm>>
      %dma_start3A_15 = tpu.memref_squeeze %dma_start3A_14 : memref<1x1x125x80xi32, #tpu.memory_space<hbm>> -> memref<125x80xi32, #tpu.memory_space<hbm>>
      %dma_start3A_16 = arith.constant 0 : i32
      %dma_start3A_17 = arith.constant 0 : i32
      %dma_start3A_18 = tpu.memref_slice %arg3[%arg0, %arg1, %dma_start3A_16, %dma_start3A_17] : memref<2x16x125x80xi32, #tpu.memory_space<hbm>> -> memref<1x1x125x80xi32, #tpu.memory_space<hbm>>
      %dma_start3A_19 = tpu.memref_squeeze %dma_start3A_18 : memref<1x1x125x80xi32, #tpu.memory_space<hbm>> -> memref<125x80xi32, #tpu.memory_space<hbm>>
      tpu.enqueue_dma source(%dma_start3A_19 : memref<125x80xi32, #tpu.memory_space<hbm>>) target(%arg7 : memref<125x80xi32, #tpu.memory_space<vmem>>) target_semaphore(%run_scoped3A : memref<!tpu.dma_semaphore, #tpu.memory_space<semaphore_mem>>)
      %dma_wait3A = arith.constant 0 : i32
      %dma_wait3A_20 = arith.constant 0 : i32
      %dma_wait3A_21 = tpu.memref_slice %arg3[%arg0, %arg1, %dma_wait3A, %dma_wait3A_20] : memref<2x16x125x80xi32, #tpu.memory_space<hbm>> -> memref<1x1x125x80xi32, #tpu.memory_space<hbm>>
      %dma_wait3A_22 = tpu.memref_squeeze %dma_wait3A_21 : memref<1x1x125x80xi32, #tpu.memory_space<hbm>> -> memref<125x80xi32, #tpu.memory_space<hbm>>
      %dma_wait3A_23 = arith.constant 0 : i32
      %dma_wait3A_24 = arith.constant 0 : i32
      %dma_wait3A_25 = tpu.memref_slice %arg3[%arg0, %arg1, %dma_wait3A_23, %dma_wait3A_24] : memref<2x16x125x80xi32, #tpu.memory_space<hbm>> -> memref<1x1x125x80xi32, #tpu.memory_space<hbm>>
      %dma_wait3A_26 = tpu.memref_squeeze %dma_wait3A_25 : memref<1x1x125x80xi32, #tpu.memory_space<hbm>> -> memref<125x80xi32, #tpu.memory_space<hbm>>
      tpu.wait_dma2 semaphore(%run_scoped3A : memref<!tpu.dma_semaphore, #tpu.memory_space<semaphore_mem>>) src(%dma_wait3A_26 : memref<125x80xi32, #tpu.memory_space<hbm>>) dst(%arg7 : memref<125x80xi32, #tpu.memory_space<vmem>>)
      tpu.yield
    }) : () -> ()
    "tpu.region"() ({
      %run_scoped3A = tpu.sem_alloc : memref<!tpu.dma_semaphore, #tpu.memory_space<semaphore_mem>>
      %dma_start3A = arith.constant 0 : i32
      %dma_start3A_13 = arith.constant 0 : i32
      %dma_start3A_14 = tpu.memref_slice %arg4[%arg0, %arg1, %dma_start3A, %dma_start3A_13] : memref<2x16x125x80xi32, #tpu.memory_space<hbm>> -> memref<1x1x125x80xi32, #tpu.memory_space<hbm>>
      %dma_start3A_15 = tpu.memref_squeeze %dma_start3A_14 : memref<1x1x125x80xi32, #tpu.memory_space<hbm>> -> memref<125x80xi32, #tpu.memory_space<hbm>>
      %dma_start3A_16 = arith.constant 0 : i32
      %dma_start3A_17 = arith.constant 0 : i32
      %dma_start3A_18 = tpu.memref_slice %arg4[%arg0, %arg1, %dma_start3A_16, %dma_start3A_17] : memref<2x16x125x80xi32, #tpu.memory_space<hbm>> -> memref<1x1x125x80xi32, #tpu.memory_space<hbm>>
      %dma_start3A_19 = tpu.memref_squeeze %dma_start3A_18 : memref<1x1x125x80xi32, #tpu.memory_space<hbm>> -> memref<125x80xi32, #tpu.memory_space<hbm>>
      tpu.enqueue_dma source(%dma_start3A_19 : memref<125x80xi32, #tpu.memory_space<hbm>>) target(%arg8 : memref<125x80xi32, #tpu.memory_space<vmem>>) target_semaphore(%run_scoped3A : memref<!tpu.dma_semaphore, #tpu.memory_space<semaphore_mem>>)
      %dma_wait3A = arith.constant 0 : i32
      %dma_wait3A_20 = arith.constant 0 : i32
      %dma_wait3A_21 = tpu.memref_slice %arg4[%arg0, %arg1, %dma_wait3A, %dma_wait3A_20] : memref<2x16x125x80xi32, #tpu.memory_space<hbm>> -> memref<1x1x125x80xi32, #tpu.memory_space<hbm>>
      %dma_wait3A_22 = tpu.memref_squeeze %dma_wait3A_21 : memref<1x1x125x80xi32, #tpu.memory_space<hbm>> -> memref<125x80xi32, #tpu.memory_space<hbm>>
      %dma_wait3A_23 = arith.constant 0 : i32
      %dma_wait3A_24 = arith.constant 0 : i32
      %dma_wait3A_25 = tpu.memref_slice %arg4[%arg0, %arg1, %dma_wait3A_23, %dma_wait3A_24] : memref<2x16x125x80xi32, #tpu.memory_space<hbm>> -> memref<1x1x125x80xi32, #tpu.memory_space<hbm>>
      %dma_wait3A_26 = tpu.memref_squeeze %dma_wait3A_25 : memref<1x1x125x80xi32, #tpu.memory_space<hbm>> -> memref<125x80xi32, #tpu.memory_space<hbm>>
      tpu.wait_dma2 semaphore(%run_scoped3A : memref<!tpu.dma_semaphore, #tpu.memory_space<semaphore_mem>>) src(%dma_wait3A_26 : memref<125x80xi32, #tpu.memory_space<hbm>>) dst(%arg8 : memref<125x80xi32, #tpu.memory_space<vmem>>)
      tpu.yield
    }) : () -> ()
    %barrier3A = arith.constant 0 : index
    tpu.barrier barrier_id(%barrier3A)
    %scan3A = arith.constant 0 : i32
    %scan3A_3 = arith.constant 0 : i32
    %scan3A_4 = arith.constant 125 : i32
    %scan3A_5 = arith.addi %scan3A_3, %scan3A_4 : i32
    %scan3A_6 = arith.constant 1 : i32
    scf.for %scan3A_13 = %scan3A_3 to %scan3A_5 step %scan3A_6  : i32 {
      %dma_start3A = arith.constant 0 : i32
      %dma_start3A_14 = tpu.memref_slice %arg7[%scan3A_13, %dma_start3A] : memref<125x80xi32, #tpu.memory_space<vmem>> -> memref<1x80xi32, #tpu.memory_space<vmem>>
      %dma_start3A_15 = tpu.memref_squeeze %dma_start3A_14 : memref<1x80xi32, #tpu.memory_space<vmem>> -> memref<80xi32, #tpu.memory_space<vmem>>
      %dma_start3A_16 = arith.constant 0 : i32
      %dma_start3A_17 = arith.constant 0 : i32
      %dma_start3A_18 = tpu.memref_slice %arg2[%dma_start3A_16, %dma_start3A_17] : memref<10000x128xf32, #tpu.memory_space<hbm>> -> memref<10000x128xf32, #tpu.memory_space<hbm>>
      tpu.enqueue_indirect_dma source(%dma_start3A_18 : memref<10000x128xf32, #tpu.memory_space<hbm>>) target(%arg9 : memref<80x128xf32, #tpu.memory_space<vmem>>) offsets(%dma_start3A_15 : memref<80xi32, #tpu.memory_space<vmem>>) semaphore(%arg11 : memref<!tpu.dma_semaphore, #tpu.memory_space<semaphore_mem>>)
      %dma_wait3A = arith.constant 0 : i32
      %dma_wait3A_19 = tpu.memref_slice %arg7[%scan3A_13, %dma_wait3A] : memref<125x80xi32, #tpu.memory_space<vmem>> -> memref<1x80xi32, #tpu.memory_space<vmem>>
      %dma_wait3A_20 = tpu.memref_squeeze %dma_wait3A_19 : memref<1x80xi32, #tpu.memory_space<vmem>> -> memref<80xi32, #tpu.memory_space<vmem>>
      %dma_wait3A_21 = arith.constant 0 : i32
      %dma_wait3A_22 = arith.constant 0 : i32
      %dma_wait3A_23 = tpu.memref_slice %arg2[%dma_wait3A_21, %dma_wait3A_22] : memref<10000x128xf32, #tpu.memory_space<hbm>> -> memref<10000x128xf32, #tpu.memory_space<hbm>>
      tpu.wait_indirect_dma semaphore(%arg11 : memref<!tpu.dma_semaphore, #tpu.memory_space<semaphore_mem>>) src(%dma_wait3A_23 : memref<10000x128xf32, #tpu.memory_space<hbm>>) dst(%arg9 : memref<80x128xf32, #tpu.memory_space<vmem>>)
      "tpu.region"() ({
        %run_scoped3A = tpu.sem_alloc : memref<!tpu.dma_semaphore, #tpu.memory_space<semaphore_mem>>
        %dma_start3A_24 = arith.constant 0 : i32
        %dma_start3A_25 = tpu.memref_slice %arg8[%scan3A_13, %dma_start3A_24] : memref<125x80xi32, #tpu.memory_space<vmem>> -> memref<1x80xi32, #tpu.memory_space<vmem>>
        %dma_start3A_26 = tpu.memref_squeeze %dma_start3A_25 : memref<1x80xi32, #tpu.memory_space<vmem>> -> memref<80xi32, #tpu.memory_space<vmem>>
        %dma_start3A_27 = arith.constant 0 : i32
        %dma_start3A_28 = arith.constant 0 : i32
        %dma_start3A_29 = tpu.memref_slice %arg10[%dma_start3A_27, %dma_start3A_28] : memref<10240x128xf32, #tpu.memory_space<vmem_shared>> -> memref<10240x128xf32, #tpu.memory_space<vmem_shared>>
        tpu.enqueue_indirect_dma source(%arg9 : memref<80x128xf32, #tpu.memory_space<vmem>>) target(%dma_start3A_29 : memref<10240x128xf32, #tpu.memory_space<vmem_shared>>) offsets(%dma_start3A_26 : memref<80xi32, #tpu.memory_space<vmem>>) semaphore(%run_scoped3A : memref<!tpu.dma_semaphore, #tpu.memory_space<semaphore_mem>>) {add = true}
        %dma_wait3A_30 = arith.constant 0 : i32
        %dma_wait3A_31 = tpu.memref_slice %arg8[%scan3A_13, %dma_wait3A_30] : memref<125x80xi32, #tpu.memory_space<vmem>> -> memref<1x80xi32, #tpu.memory_space<vmem>>
        %dma_wait3A_32 = tpu.memref_squeeze %dma_wait3A_31 : memref<1x80xi32, #tpu.memory_space<vmem>> -> memref<80xi32, #tpu.memory_space<vmem>>
        %dma_wait3A_33 = arith.constant 0 : i32
        %dma_wait3A_34 = arith.constant 0 : i32
        %dma_wait3A_35 = tpu.memref_slice %arg10[%dma_wait3A_33, %dma_wait3A_34] : memref<10240x128xf32, #tpu.memory_space<vmem_shared>> -> memref<10240x128xf32, #tpu.memory_space<vmem_shared>>
        tpu.wait_indirect_dma semaphore(%run_scoped3A : memref<!tpu.dma_semaphore, #tpu.memory_space<semaphore_mem>>) src(%arg9 : memref<80x128xf32, #tpu.memory_space<vmem>>) dst(%dma_wait3A_35 : memref<10240x128xf32, #tpu.memory_space<vmem_shared>>)
        tpu.yield
      }) : () -> ()
    }
    %scan3A_7 = arith.constant 125 : i32
    %barrier3A_8 = arith.constant 0 : index
    tpu.barrier barrier_id(%barrier3A_8)
    %mul3A_9 = arith.constant 640 : i32
    %mul3A_10 = arith.muli %arg1, %mul3A_9 : i32
    %mul3A_11 = arith.constant 640 : i32
    %mul3A_12 = arith.muli %arg1, %mul3A_11 : i32
    "tpu.region"() ({
      %run_scoped3A = tpu.sem_alloc : memref<!tpu.dma_semaphore, #tpu.memory_space<semaphore_mem>>
      %dma_start3A = arith.constant 0 : i32
      %dma_start3A_13 = tpu.memref_slice %arg6[%arg0, %mul3A_12, %dma_start3A] : memref<2x10240x128xf32, #tpu.memory_space<hbm>> -> memref<1x640x128xf32, #tpu.memory_space<hbm>>
      %dma_start3A_14 = tpu.memref_squeeze %dma_start3A_13 : memref<1x640x128xf32, #tpu.memory_space<hbm>> -> memref<640x128xf32, #tpu.memory_space<hbm>>
      %dma_start3A_15 = arith.constant 0 : i32
      %dma_start3A_16 = tpu.memref_slice %arg10[%mul3A_10, %dma_start3A_15] : memref<10240x128xf32, #tpu.memory_space<vmem_shared>> -> memref<640x128xf32, #tpu.memory_space<vmem_shared>>
      tpu.enqueue_dma source(%dma_start3A_16 : memref<640x128xf32, #tpu.memory_space<vmem_shared>>) target(%dma_start3A_14 : memref<640x128xf32, #tpu.memory_space<hbm>>) target_semaphore(%run_scoped3A : memref<!tpu.dma_semaphore, #tpu.memory_space<semaphore_mem>>)
      %dma_wait3A = arith.constant 0 : i32
      %dma_wait3A_17 = tpu.memref_slice %arg6[%arg0, %mul3A_12, %dma_wait3A] : memref<2x10240x128xf32, #tpu.memory_space<hbm>> -> memref<1x640x128xf32, #tpu.memory_space<hbm>>
      %dma_wait3A_18 = tpu.memref_squeeze %dma_wait3A_17 : memref<1x640x128xf32, #tpu.memory_space<hbm>> -> memref<640x128xf32, #tpu.memory_space<hbm>>
      %dma_wait3A_19 = arith.constant 0 : i32
      %dma_wait3A_20 = tpu.memref_slice %arg10[%mul3A_10, %dma_wait3A_19] : memref<10240x128xf32, #tpu.memory_space<vmem_shared>> -> memref<640x128xf32, #tpu.memory_space<vmem_shared>>
      tpu.wait_dma2 semaphore(%run_scoped3A : memref<!tpu.dma_semaphore, #tpu.memory_space<semaphore_mem>>) src(%dma_wait3A_20 : memref<640x128xf32, #tpu.memory_space<vmem_shared>>) dst(%dma_wait3A_18 : memref<640x128xf32, #tpu.memory_space<hbm>>)
      tpu.yield
    }) : () -> ()
    return
  }
}

module attributes {stable_mosaic.version = 14 : i64} {
  func.func @body(%arg0: i32, %arg1: memref<1000x128xf32, #tpu.memory_space<vmem>>, %arg2: memref<128x256xf32, #tpu.memory_space<vmem>>, %arg3: memref<2x1000x128xf32, #tpu.memory_space<vmem>>, %arg4: memref<2x1000x128xf32, #tpu.memory_space<vmem>>) attributes {dimension_semantics = [#tpu.dimension_semantics<arbitrary>], iteration_bounds = array<i64: 10>, scalar_prefetch = 0 : i64, scratch_operands = 0 : i64, tpu.core_type = #tpu.core_type<tc>, window_params = [{transform_indices = @transform_0, window_bounds = array<i64: 1000, 128>}, {pipeline_mode = #tpu.pipeline_mode<synchronous>, transform_indices = @transform_1, window_bounds = array<i64: 128, 256>}, {transform_indices = @transform_2, window_bounds = array<i64: 2, 1000, 128>}, {transform_indices = @transform_3, window_bounds = array<i64: 2, 1000, 128>}]} {
    %get3A = arith.constant 0 : index
    %get3A_0 = arith.constant 0 : index
    %get3A_1 = arith.constant 0 : index
    %get3A_2 = vector.load %arg3[%get3A, %get3A_0, %get3A_1] : memref<2x1000x128xf32, #tpu.memory_space<vmem>>, vector<2x1000x128xf32>
    %slice3A = vector.extract_strided_slice %get3A_2 {offsets = [0, 0, 0], sizes = [1, 1000, 1], strides = [1, 1, 1]} : vector<2x1000x128xf32> to vector<1x1000x1xf32>
    %squeeze3A = vector.shape_cast %slice3A : vector<1x1000x1xf32> to vector<1000xf32>
    %slice3A_3 = vector.extract_strided_slice %get3A_2 {offsets = [1, 0, 0], sizes = [1, 1000, 1], strides = [1, 1, 1]} : vector<2x1000x128xf32> to vector<1x1000x1xf32>
    %squeeze3A_4 = vector.shape_cast %slice3A_3 : vector<1x1000x1xf32> to vector<1000xf32>
    %add3A = arith.addf %squeeze3A, %squeeze3A_4 : vector<1000xf32>
    %add3A_5 = arith.constant 1.000000e+00 : f32
    %add3A_6 = vector.broadcast %add3A_5 : f32 to vector<1000xf32>
    %add3A_7 = arith.addf %add3A, %add3A_6 : vector<1000xf32>
    %rsqrt3A = math.rsqrt %add3A_7 : vector<1000xf32>
    %broadcast_in_dim3A = vector.shape_cast %rsqrt3A : vector<1000xf32> to vector<1000x1xf32>
    %get3A_8 = arith.constant 0 : index
    %get3A_9 = arith.constant 0 : index
    %get3A_10 = vector.load %arg1[%get3A_8, %get3A_9] : memref<1000x128xf32, #tpu.memory_space<vmem>>, vector<1000x128xf32>
    %get3A_11 = arith.constant 0 : index
    %get3A_12 = arith.constant 0 : index
    %get3A_13 = vector.load %arg2[%get3A_11, %get3A_12] : memref<128x256xf32, #tpu.memory_space<vmem>>, vector<128x256xf32>
    %dot_general3A = arith.constant dense<0.000000e+00> : vector<1000x256xf32>
    %dot_general3A_14 = tpu.matmul %get3A_10, %get3A_13, %dot_general3A {dimension_numbers = #tpu.dot_dimension_numbers<[1], [0], [0], [1], [0, 0, 1, 1], [], []>, transpose_lhs_hint = false} : vector<1000x128xf32>, vector<128x256xf32>, vector<1000x256xf32> -> vector<1000x256xf32>
    %mul3A = vector.broadcast %broadcast_in_dim3A : vector<1000x1xf32> to vector<1000x256xf32>
    %mul3A_15 = arith.mulf %dot_general3A_14, %mul3A : vector<1000x256xf32>
    %slice3A_16 = vector.extract_strided_slice %mul3A_15 {offsets = [0, 0], sizes = [1000, 128], strides = [1, 1]} : vector<1000x256xf32> to vector<1000x128xf32>
    %swap3A = arith.constant 0 : index
    %swap3A_17 = arith.constant 0 : index
    %swap3A_18 = arith.constant 0 : index
    %swap3A_19 = vector.load %arg4[%swap3A, %swap3A_17, %swap3A_18] : memref<2x1000x128xf32, #tpu.memory_space<vmem>>, vector<1x1000x128xf32>
    %swap3A_20 = vector.shape_cast %swap3A_19 : vector<1x1000x128xf32> to vector<1000x128xf32>
    %swap3A_21 = vector.shape_cast %slice3A_16 : vector<1000x128xf32> to vector<1x1000x128xf32>
    tpu.vector_store %arg4[%swap3A, %swap3A_17, %swap3A_18], %swap3A_21 {strides = array<i32>} : memref<2x1000x128xf32, #tpu.memory_space<vmem>>, vector<1x1000x128xf32>,
    %slice3A_22 = vector.extract_strided_slice %mul3A_15 {offsets = [0, 128], sizes = [1000, 128], strides = [1, 1]} : vector<1000x256xf32> to vector<1000x128xf32>
    %swap3A_23 = arith.constant 1 : index
    %swap3A_24 = arith.constant 0 : index
    %swap3A_25 = arith.constant 0 : index
    %swap3A_26 = vector.load %arg4[%swap3A_23, %swap3A_24, %swap3A_25] : memref<2x1000x128xf32, #tpu.memory_space<vmem>>, vector<1x1000x128xf32>
    %swap3A_27 = vector.shape_cast %swap3A_26 : vector<1x1000x128xf32> to vector<1000x128xf32>
    %swap3A_28 = vector.shape_cast %slice3A_22 : vector<1000x128xf32> to vector<1x1000x128xf32>
    tpu.vector_store %arg4[%swap3A_23, %swap3A_24, %swap3A_25], %swap3A_28 {strides = array<i32>} : memref<2x1000x128xf32, #tpu.memory_space<vmem>>, vector<1x1000x128xf32>,
    return
  }
  func.func @transform_0(%arg0: i32) -> (i32, i32) {
    %c0_i32 = arith.constant 0 : i32
    %c0_i32_0 = arith.constant 0 : i32
    return %arg0, %c0_i32 : i32, i32
  }
  func.func @transform_1(%arg0: i32) -> (i32, i32) {
    %c0_i32 = arith.constant 0 : i32
    %c0_i32_0 = arith.constant 0 : i32
    %c0_i32_1 = arith.constant 0 : i32
    return %c0_i32, %c0_i32_0 : i32, i32
  }
  func.func @transform_2(%arg0: i32) -> (i32, i32, i32) {
    %c0_i32 = arith.constant 0 : i32
    %c0_i32_0 = arith.constant 0 : i32
    %c0_i32_1 = arith.constant 0 : i32
    return %c0_i32, %arg0, %c0_i32_0 : i32, i32, i32
  }
  func.func @transform_3(%arg0: i32) -> (i32, i32, i32) {
    %c0_i32 = arith.constant 0 : i32
    %c0_i32_0 = arith.constant 0 : i32
    %c0_i32_1 = arith.constant 0 : i32
    return %c0_i32, %arg0, %c0_i32_0 : i32, i32, i32
  }
}

module attributes {stable_mosaic.version = 14 : i64} {
  func.func @body(%arg0: i32, %arg1: memref<2x1000x128xf32, #tpu.memory_space<vmem>>, %arg2: memref<2x1000x128xf32, #tpu.memory_space<vmem>>, %arg3: memref<2x1000x128xf32, #tpu.memory_space<vmem>>, %arg4: memref<2x1000x128xf32, #tpu.memory_space<vmem>>, %arg5: memref<2x128xf32, #tpu.memory_space<vmem>>, %arg6: memref<2x128x128xf32, #tpu.memory_space<vmem>>, %arg7: memref<1000x128xf32, #tpu.memory_space<vmem>>) attributes {dimension_semantics = [#tpu.dimension_semantics<arbitrary>], iteration_bounds = array<i64: 10>, scalar_prefetch = 0 : i64, scratch_operands = 0 : i64, tpu.core_type = #tpu.core_type<tc>, window_params = [{transform_indices = @transform_0, window_bounds = array<i64: 2, 1000, 128>}, {transform_indices = @transform_1, window_bounds = array<i64: 2, 1000, 128>}, {transform_indices = @transform_2, window_bounds = array<i64: 2, 1000, 128>}, {transform_indices = @transform_3, window_bounds = array<i64: 2, 1000, 128>}, {pipeline_mode = #tpu.pipeline_mode<synchronous>, transform_indices = @transform_4, window_bounds = array<i64: 2, 128>}, {pipeline_mode = #tpu.pipeline_mode<synchronous>, transform_indices = @transform_5, window_bounds = array<i64: 2, 128, 128>}, {transform_indices = @transform_6, window_bounds = array<i64: 1000, 128>}]} {
    %get3A = arith.constant 0 : index
    %get3A_0 = arith.constant 0 : index
    %get3A_1 = arith.constant 0 : index
    %get3A_2 = vector.load %arg4[%get3A, %get3A_0, %get3A_1] : memref<2x1000x128xf32, #tpu.memory_space<vmem>>, vector<2x1000x128xf32>
    %slice3A = vector.extract_strided_slice %get3A_2 {offsets = [0, 0, 0], sizes = [1, 1000, 1], strides = [1, 1, 1]} : vector<2x1000x128xf32> to vector<1x1000x1xf32>
    %squeeze3A = vector.shape_cast %slice3A : vector<1x1000x1xf32> to vector<1000xf32>
    %slice3A_3 = vector.extract_strided_slice %get3A_2 {offsets = [1, 0, 0], sizes = [1, 1000, 1], strides = [1, 1, 1]} : vector<2x1000x128xf32> to vector<1x1000x1xf32>
    %squeeze3A_4 = vector.shape_cast %slice3A_3 : vector<1x1000x1xf32> to vector<1000xf32>
    %add3A = arith.addf %squeeze3A, %squeeze3A_4 : vector<1000xf32>
    %add3A_5 = arith.constant 1.000000e+00 : f32
    %add3A_6 = vector.broadcast %add3A_5 : f32 to vector<1000xf32>
    %add3A_7 = arith.addf %add3A, %add3A_6 : vector<1000xf32>
    %rsqrt3A = math.rsqrt %add3A_7 : vector<1000xf32>
    %broadcast_in_dim3A = vector.shape_cast %rsqrt3A : vector<1000xf32> to vector<1000x1xf32>
    %get3A_8 = arith.constant 0 : index
    %get3A_9 = arith.constant 0 : index
    %get3A_10 = arith.constant 0 : index
    %get3A_11 = vector.load %arg1[%get3A_8, %get3A_9, %get3A_10] : memref<2x1000x128xf32, #tpu.memory_space<vmem>>, vector<1x1000x128xf32>
    %get3A_12 = vector.shape_cast %get3A_11 : vector<1x1000x128xf32> to vector<1000x128xf32>
    %get3A_13 = arith.constant 1 : index
    %get3A_14 = arith.constant 0 : index
    %get3A_15 = arith.constant 0 : index
    %get3A_16 = vector.load %arg1[%get3A_13, %get3A_14, %get3A_15] : memref<2x1000x128xf32, #tpu.memory_space<vmem>>, vector<1x1000x128xf32>
    %get3A_17 = vector.shape_cast %get3A_16 : vector<1x1000x128xf32> to vector<1000x128xf32>
    %add3A_18 = arith.addf %get3A_12, %get3A_17 : vector<1000x128xf32>
    %get3A_19 = arith.constant 0 : index
    %get3A_20 = arith.constant 0 : index
    %get3A_21 = arith.constant 0 : index
    %get3A_22 = vector.load %arg3[%get3A_19, %get3A_20, %get3A_21] : memref<2x1000x128xf32, #tpu.memory_space<vmem>>, vector<1x1000x128xf32>
    %get3A_23 = vector.shape_cast %get3A_22 : vector<1x1000x128xf32> to vector<1000x128xf32>
    %add3A_24 = arith.addf %add3A_18, %get3A_23 : vector<1000x128xf32>
    %mul3A = vector.broadcast %broadcast_in_dim3A : vector<1000x1xf32> to vector<1000x128xf32>
    %mul3A_25 = arith.mulf %mul3A, %add3A_24 : vector<1000x128xf32>
    %get3A_26 = arith.constant 0 : index
    %get3A_27 = arith.constant 0 : index
    %get3A_28 = vector.load %arg5[%get3A_26, %get3A_27] : memref<2x128xf32, #tpu.memory_space<vmem>>, vector<1x128xf32>
    %get3A_29 = vector.shape_cast %get3A_28 : vector<1x128xf32> to vector<128xf32>
    %broadcast_in_dim3A_30 = vector.shape_cast %get3A_29 : vector<128xf32> to vector<1x128xf32>
    %add3A_31 = vector.broadcast %broadcast_in_dim3A_30 : vector<1x128xf32> to vector<1000x128xf32>
    %add3A_32 = arith.addf %mul3A_25, %add3A_31 : vector<1000x128xf32>
    %max3A = arith.constant 0.000000e+00 : f32
    %max3A_33 = vector.broadcast %max3A : f32 to vector<1000x128xf32>
    %max3A_34 = arith.maximumf %add3A_32, %max3A_33 : vector<1000x128xf32>
    %get3A_35 = arith.constant 0 : index
    %get3A_36 = arith.constant 0 : index
    %get3A_37 = arith.constant 0 : index
    %get3A_38 = vector.load %arg2[%get3A_35, %get3A_36, %get3A_37] : memref<2x1000x128xf32, #tpu.memory_space<vmem>>, vector<1x1000x128xf32>
    %get3A_39 = vector.shape_cast %get3A_38 : vector<1x1000x128xf32> to vector<1000x128xf32>
    %get3A_40 = arith.constant 1 : index
    %get3A_41 = arith.constant 0 : index
    %get3A_42 = arith.constant 0 : index
    %get3A_43 = vector.load %arg2[%get3A_40, %get3A_41, %get3A_42] : memref<2x1000x128xf32, #tpu.memory_space<vmem>>, vector<1x1000x128xf32>
    %get3A_44 = vector.shape_cast %get3A_43 : vector<1x1000x128xf32> to vector<1000x128xf32>
    %add3A_45 = arith.addf %get3A_39, %get3A_44 : vector<1000x128xf32>
    %get3A_46 = arith.constant 1 : index
    %get3A_47 = arith.constant 0 : index
    %get3A_48 = arith.constant 0 : index
    %get3A_49 = vector.load %arg3[%get3A_46, %get3A_47, %get3A_48] : memref<2x1000x128xf32, #tpu.memory_space<vmem>>, vector<1x1000x128xf32>
    %get3A_50 = vector.shape_cast %get3A_49 : vector<1x1000x128xf32> to vector<1000x128xf32>
    %add3A_51 = arith.addf %add3A_45, %get3A_50 : vector<1000x128xf32>
    %mul3A_52 = vector.broadcast %broadcast_in_dim3A : vector<1000x1xf32> to vector<1000x128xf32>
    %mul3A_53 = arith.mulf %mul3A_52, %add3A_51 : vector<1000x128xf32>
    %get3A_54 = arith.constant 1 : index
    %get3A_55 = arith.constant 0 : index
    %get3A_56 = vector.load %arg5[%get3A_54, %get3A_55] : memref<2x128xf32, #tpu.memory_space<vmem>>, vector<1x128xf32>
    %get3A_57 = vector.shape_cast %get3A_56 : vector<1x128xf32> to vector<128xf32>
    %broadcast_in_dim3A_58 = vector.shape_cast %get3A_57 : vector<128xf32> to vector<1x128xf32>
    %add3A_59 = vector.broadcast %broadcast_in_dim3A_58 : vector<1x128xf32> to vector<1000x128xf32>
    %add3A_60 = arith.addf %mul3A_53, %add3A_59 : vector<1000x128xf32>
    %max3A_61 = arith.constant 0.000000e+00 : f32
    %max3A_62 = vector.broadcast %max3A_61 : f32 to vector<1000x128xf32>
    %max3A_63 = arith.maximumf %add3A_60, %max3A_62 : vector<1000x128xf32>
    %get3A_64 = arith.constant 0 : index
    %get3A_65 = arith.constant 0 : index
    %get3A_66 = arith.constant 0 : index
    %get3A_67 = vector.load %arg6[%get3A_64, %get3A_65, %get3A_66] : memref<2x128x128xf32, #tpu.memory_space<vmem>>, vector<1x128x128xf32>
    %get3A_68 = vector.shape_cast %get3A_67 : vector<1x128x128xf32> to vector<128x128xf32>
    %dot_general3A = arith.constant dense<0.000000e+00> : vector<1000x128xf32>
    %dot_general3A_69 = tpu.matmul %max3A_34, %get3A_68, %dot_general3A {dimension_numbers = #tpu.dot_dimension_numbers<[1], [0], [0], [1], [0, 0, 1, 1], [], []>, transpose_lhs_hint = false} : vector<1000x128xf32>, vector<128x128xf32>, vector<1000x128xf32> -> vector<1000x128xf32>
    %get3A_70 = arith.constant 1 : index
    %get3A_71 = arith.constant 0 : index
    %get3A_72 = arith.constant 0 : index
    %get3A_73 = vector.load %arg6[%get3A_70, %get3A_71, %get3A_72] : memref<2x128x128xf32, #tpu.memory_space<vmem>>, vector<1x128x128xf32>
    %get3A_74 = vector.shape_cast %get3A_73 : vector<1x128x128xf32> to vector<128x128xf32>
    %dot_general3A_75 = arith.constant dense<0.000000e+00> : vector<1000x128xf32>
    %dot_general3A_76 = tpu.matmul %max3A_63, %get3A_74, %dot_general3A_75 {dimension_numbers = #tpu.dot_dimension_numbers<[1], [0], [0], [1], [0, 0, 1, 1], [], []>, transpose_lhs_hint = false} : vector<1000x128xf32>, vector<128x128xf32>, vector<1000x128xf32> -> vector<1000x128xf32>
    %add3A_77 = arith.addf %dot_general3A_69, %dot_general3A_76 : vector<1000x128xf32>
    %mul3A_78 = vector.broadcast %broadcast_in_dim3A : vector<1000x1xf32> to vector<1000x128xf32>
    %mul3A_79 = arith.mulf %add3A_77, %mul3A_78 : vector<1000x128xf32>
    %swap3A = arith.constant 0 : index
    %swap3A_80 = arith.constant 0 : index
    %swap3A_81 = vector.load %arg7[%swap3A, %swap3A_80] : memref<1000x128xf32, #tpu.memory_space<vmem>>, vector<1000x128xf32>
    tpu.vector_store %arg7[%swap3A, %swap3A_80], %mul3A_79 {strides = array<i32>} : memref<1000x128xf32, #tpu.memory_space<vmem>>, vector<1000x128xf32>,
    return
  }
  func.func @transform_0(%arg0: i32) -> (i32, i32, i32) {
    %c0_i32 = arith.constant 0 : i32
    %c0_i32_0 = arith.constant 0 : i32
    %c0_i32_1 = arith.constant 0 : i32
    return %c0_i32, %arg0, %c0_i32_0 : i32, i32, i32
  }
  func.func @transform_1(%arg0: i32) -> (i32, i32, i32) {
    %c0_i32 = arith.constant 0 : i32
    %c0_i32_0 = arith.constant 0 : i32
    %c0_i32_1 = arith.constant 0 : i32
    return %c0_i32, %arg0, %c0_i32_0 : i32, i32, i32
  }
  func.func @transform_2(%arg0: i32) -> (i32, i32, i32) {
    %c0_i32 = arith.constant 0 : i32
    %c0_i32_0 = arith.constant 0 : i32
    %c0_i32_1 = arith.constant 0 : i32
    return %c0_i32, %arg0, %c0_i32_0 : i32, i32, i32
  }
  func.func @transform_3(%arg0: i32) -> (i32, i32, i32) {
    %c0_i32 = arith.constant 0 : i32
    %c0_i32_0 = arith.constant 0 : i32
    %c0_i32_1 = arith.constant 0 : i32
    return %c0_i32, %arg0, %c0_i32_0 : i32, i32, i32
  }
  func.func @transform_4(%arg0: i32) -> (i32, i32) {
    %c0_i32 = arith.constant 0 : i32
    %c0_i32_0 = arith.constant 0 : i32
    %c0_i32_1 = arith.constant 0 : i32
    return %c0_i32, %c0_i32_0 : i32, i32
  }
  func.func @transform_5(%arg0: i32) -> (i32, i32, i32) {
    %c0_i32 = arith.constant 0 : i32
    %c0_i32_0 = arith.constant 0 : i32
    %c0_i32_1 = arith.constant 0 : i32
    %c0_i32_2 = arith.constant 0 : i32
    return %c0_i32, %c0_i32_0, %c0_i32_1 : i32, i32, i32
  }
  func.func @transform_6(%arg0: i32) -> (i32, i32) {
    %c0_i32 = arith.constant 0 : i32
    %c0_i32_0 = arith.constant 0 : i32
    return %arg0, %c0_i32 : i32, i32
  }
}

module attributes {stable_mosaic.version = 14 : i64} {
  func.func @body(%arg0: i32, %arg1: memref<2x1000x128xf32, #tpu.memory_space<vmem>>, %arg2: memref<1000x128xf32, #tpu.memory_space<vmem>>, %arg3: memref<2x1000x128xf32, #tpu.memory_space<vmem>>, %arg4: memref<1x128xf32, #tpu.memory_space<vmem>>, %arg5: memref<1000x128xf32, #tpu.memory_space<vmem>>) attributes {dimension_semantics = [#tpu.dimension_semantics<arbitrary>], iteration_bounds = array<i64: 10>, scalar_prefetch = 0 : i64, scratch_operands = 0 : i64, tpu.core_type = #tpu.core_type<tc>, window_params = [{transform_indices = @transform_0, window_bounds = array<i64: 2, 1000, 128>}, {transform_indices = @transform_1, window_bounds = array<i64: 1000, 128>}, {transform_indices = @transform_2, window_bounds = array<i64: 2, 1000, 128>}, {pipeline_mode = #tpu.pipeline_mode<synchronous>, transform_indices = @transform_3, window_bounds = array<i64: 1, 128>}, {transform_indices = @transform_4, window_bounds = array<i64: 1000, 128>}]} {
    %get3A = arith.constant 0 : index
    %get3A_0 = arith.constant 0 : index
    %get3A_1 = arith.constant 0 : index
    %get3A_2 = vector.load %arg3[%get3A, %get3A_0, %get3A_1] : memref<2x1000x128xf32, #tpu.memory_space<vmem>>, vector<2x1000x128xf32>
    %slice3A = vector.extract_strided_slice %get3A_2 {offsets = [0, 0, 0], sizes = [1, 1000, 1], strides = [1, 1, 1]} : vector<2x1000x128xf32> to vector<1x1000x1xf32>
    %squeeze3A = vector.shape_cast %slice3A : vector<1x1000x1xf32> to vector<1000xf32>
    %slice3A_3 = vector.extract_strided_slice %get3A_2 {offsets = [1, 0, 0], sizes = [1, 1000, 1], strides = [1, 1, 1]} : vector<2x1000x128xf32> to vector<1x1000x1xf32>
    %squeeze3A_4 = vector.shape_cast %slice3A_3 : vector<1x1000x1xf32> to vector<1000xf32>
    %add3A = arith.addf %squeeze3A, %squeeze3A_4 : vector<1000xf32>
    %add3A_5 = arith.constant 1.000000e+00 : f32
    %add3A_6 = vector.broadcast %add3A_5 : f32 to vector<1000xf32>
    %add3A_7 = arith.addf %add3A, %add3A_6 : vector<1000xf32>
    %rsqrt3A = math.rsqrt %add3A_7 : vector<1000xf32>
    %broadcast_in_dim3A = vector.shape_cast %rsqrt3A : vector<1000xf32> to vector<1000x1xf32>
    %get3A_8 = arith.constant 0 : index
    %get3A_9 = arith.constant 0 : index
    %get3A_10 = arith.constant 0 : index
    %get3A_11 = vector.load %arg1[%get3A_8, %get3A_9, %get3A_10] : memref<2x1000x128xf32, #tpu.memory_space<vmem>>, vector<1x1000x128xf32>
    %get3A_12 = vector.shape_cast %get3A_11 : vector<1x1000x128xf32> to vector<1000x128xf32>
    %get3A_13 = arith.constant 1 : index
    %get3A_14 = arith.constant 0 : index
    %get3A_15 = arith.constant 0 : index
    %get3A_16 = vector.load %arg1[%get3A_13, %get3A_14, %get3A_15] : memref<2x1000x128xf32, #tpu.memory_space<vmem>>, vector<1x1000x128xf32>
    %get3A_17 = vector.shape_cast %get3A_16 : vector<1x1000x128xf32> to vector<1000x128xf32>
    %add3A_18 = arith.addf %get3A_12, %get3A_17 : vector<1000x128xf32>
    %get3A_19 = arith.constant 0 : index
    %get3A_20 = arith.constant 0 : index
    %get3A_21 = vector.load %arg2[%get3A_19, %get3A_20] : memref<1000x128xf32, #tpu.memory_space<vmem>>, vector<1000x128xf32>
    %add3A_22 = arith.addf %add3A_18, %get3A_21 : vector<1000x128xf32>
    %mul3A = vector.broadcast %broadcast_in_dim3A : vector<1000x1xf32> to vector<1000x128xf32>
    %mul3A_23 = arith.mulf %mul3A, %add3A_22 : vector<1000x128xf32>
    %get3A_24 = arith.constant 0 : index
    %get3A_25 = arith.constant 0 : index
    %get3A_26 = vector.load %arg4[%get3A_24, %get3A_25] : memref<1x128xf32, #tpu.memory_space<vmem>>, vector<1x128xf32>
    %get3A_27 = vector.shape_cast %get3A_26 : vector<1x128xf32> to vector<128xf32>
    %broadcast_in_dim3A_28 = vector.shape_cast %get3A_27 : vector<128xf32> to vector<1x128xf32>
    %add3A_29 = vector.broadcast %broadcast_in_dim3A_28 : vector<1x128xf32> to vector<1000x128xf32>
    %add3A_30 = arith.addf %mul3A_23, %add3A_29 : vector<1000x128xf32>
    %max3A = arith.constant 0.000000e+00 : f32
    %max3A_31 = vector.broadcast %max3A : f32 to vector<1000x128xf32>
    %max3A_32 = arith.maximumf %add3A_30, %max3A_31 : vector<1000x128xf32>
    %swap3A = arith.constant 0 : index
    %swap3A_33 = arith.constant 0 : index
    %swap3A_34 = vector.load %arg5[%swap3A, %swap3A_33] : memref<1000x128xf32, #tpu.memory_space<vmem>>, vector<1000x128xf32>
    tpu.vector_store %arg5[%swap3A, %swap3A_33], %max3A_32 {strides = array<i32>} : memref<1000x128xf32, #tpu.memory_space<vmem>>, vector<1000x128xf32>,
    return
  }
  func.func @transform_0(%arg0: i32) -> (i32, i32, i32) {
    %c0_i32 = arith.constant 0 : i32
    %c0_i32_0 = arith.constant 0 : i32
    %c0_i32_1 = arith.constant 0 : i32
    return %c0_i32, %arg0, %c0_i32_0 : i32, i32, i32
  }
  func.func @transform_1(%arg0: i32) -> (i32, i32) {
    %c0_i32 = arith.constant 0 : i32
    %c0_i32_0 = arith.constant 0 : i32
    return %arg0, %c0_i32 : i32, i32
  }
  func.func @transform_2(%arg0: i32) -> (i32, i32, i32) {
    %c0_i32 = arith.constant 0 : i32
    %c0_i32_0 = arith.constant 0 : i32
    %c0_i32_1 = arith.constant 0 : i32
    return %c0_i32, %arg0, %c0_i32_0 : i32, i32, i32
  }
  func.func @transform_3(%arg0: i32) -> (i32, i32) {
    %c0_i32 = arith.constant 0 : i32
    %c0_i32_0 = arith.constant 0 : i32
    %c0_i32_1 = arith.constant 0 : i32
    return %c0_i32, %c0_i32_0 : i32, i32
  }
  func.func @transform_4(%arg0: i32) -> (i32, i32) {
    %c0_i32 = arith.constant 0 : i32
    %c0_i32_0 = arith.constant 0 : i32
    return %arg0, %c0_i32 : i32, i32
  }
}

</mosaic_0001>

<sc_bundles>
// kernel: kernel.12.cloned.1.call-start
scs
__scs_entry_jumppad:
0x0: {  	(pc) =	sbr.rel $0x88, $3  }
0x1: {  	(tag) =	ssettag $0x0;
	lr =	simm.s32 $0x1  }
0x2: {  	[smem:$0x3F9B] =	sst lr;
	_ =	strace $0xD0000000  }
0x3: {  	_ = 	snop  }
0x4: {  	_ = 	snop  }
0x5: {  	_ = 	snop  }
0x6: {  	_ = 	snop  }
0x7: {  	_ = 	snop  }
__scs_overlays_trampoline_lowered:
0x8: {  	[smem:$0x3FAA] =	sst s0  }
0x9: {  	[smem:$0x3FAB] =	sst s1  }
0xa: {  	[smem:$0x3FAC] =	sst s2  }
0xb: {  	[smem:$0x3FAD] =	sst s3  }
0xc: {  	[smem:$0x3FAE] =	sst s4  }
0xd: {  	[smem:$0x3FAF] =	sst s5  }
0xe: {  	[smem:$0x3FB0] =	sst s6  }
0xf: {  	[smem:$0x3FB1] =	sst s7  }
0x10: {  	[smem:$0x3FB2] =	sst s8  }
0x11: {  	[smem:$0x3FB3] =	sst s9;
	s0 =	simm.s32 @!p0 $0x0  }
0x12: {  	s1 =	sld [smem:$0x3F99];
	s0 =	simm.s32 @p0 $0x1  }
0x13: {  	[smem:$0x3FB4] =	sst s0;
	s0 =	simm.s32 @!p1 $0x0  }
0x14: {  	s2 =	sld [smem:$0x3F98];
	s0 =	simm.s32 @p1 $0x1  }
0x15: {  	[smem:$0x3FB5] =	sst s0;
	s0 =	simm.s32 @!p2 $0x0  }
0x16: {  	s3 =	sld [smem:$0x3FDB];
	s0 =	simm.s32 @p2 $0x1  }
0x17: {  	s4 =	simm.s32 $0x1BF5;
	[smem:$0x3FB7] =	sst s0  }
0x18: {  	s0 =	sld [smem:$0x3F9A];
	_ =	swait.ge [sflag:s4], $0x0  }
0x19: {  	s7 =	sld [smem:$0x3F9B]  }
0x1a: {  	s8 =	sadd.s32 $0xFFFFE003, lr  }
0x1b: {  	s9 =	sadd.s32 $0xFFFFFEF7, lr;
	s5 =	simm.s32 $0xFFFFFFFF;
	p2 =	slt.u32 s8, $0xFFFFF086  }
0x1c: {  	p1 =	slt.u32 s9, $0xF7A;
	s5 =	simm.s32 @!p2 $0x0  }
0x1d: {  	s5 =	simm.s32 @p1 $0x1;
	p0 =	seq.s32 s7, s2  }
0x1e: {  	s7 =	smul.u32 @!p0 $0xF7A, s2;
	p2 =	seq.s32 @!p0 s5, $0x0  }
0x1f: {  	s9 =	smul.u32 $0xF7A, s1;
	s8 =	simm.s32 @!p0 $0x1BF5;
	p2 =	por !p2, p0  }
0x20: {  	[sflag:s8] =	ssyncset.s32 @!p0 $0xFFFFF086;
	s6 =	sadd.s32 @!p0 s3, s7;
	s7 =	simm.s32 @!p0 $0x108  }
0x21: {  	s3 =	sadd.s32 s3, s9;
	s6 =	sadd.s32 @!p0 $0x88, s6;
	s7 =	simm.s32 @p2 $0x1082  }
0x22: {  	[simem:s7], [sflag:s8] =	dma.local @!p0 [hbm:s6], $0xF7A  }
0x23: {  	s9 =	sor.u32 $0xD0000000, s2;
	s6 =	simm.s32 $0x108;
	_ =	swait.ge @!p0 [sflag:s8], $0x0  }
0x24: {  	s3 =	sadd.s32 $0x88, s3;
	s6 =	simm.s32 @!p1 $0x1082;
	[sflag:s4] =	ssyncset.s32 $0xFFFFF086  }
0x25: {  	[simem:s6], [sflag:s4] =	dma.local [hbm:s3], $0xF7A  }
0x26: {  	[smem:$0x3F9B] =	sst s1;
	(tag) =	ssettag s2;
	_ =	strace s9  }
0x27: {  	s1 =	sld [smem:$0x3FAB]  }
0x28: {  	s2 =	sld [smem:$0x3FAC]  }
0x29: {  	s4 =	sld [smem:$0x3FAE]  }
0x2a: {  	p0 =	seq.s32 s5, $0x0;
	s5 =	sld [smem:$0x3FAF]  }
0x2b: {  	s6 =	sld [smem:$0x3FB0]  }
0x2c: {  	s7 =	sld [smem:$0x3FB1]  }
0x2d: {  	s3 =	simm.s32 $0x108;
	s8 =	sld [smem:$0x3FB2]  }
0x2e: {  	s3 =	simm.s32 @!p0 $0x1082;
	s9 =	sld [smem:$0x3FB3]  }
0x2f: {  	lr =	sadd.s32 s0, s3;
	s0 =	sld [smem:$0x3FAA]  }
0x30: {  	s3 =	sld [smem:$0x3FAD]  }
0x31: {  	[smem:$0x3FB6] =	sst s10  }
0x32: {  	s10 =	sld [smem:$0x3FB4];
	_ =	sdelay $0x3  }
0x33: {  	p0 =	seq.s32 s10, $0x1;
	s10 =	sld [smem:$0x3FB6];
	_ =	sdelay $0x3  }
0x34: {  	[smem:$0x3FB6] =	sst s10  }
0x35: {  	s10 =	sld [smem:$0x3FB5];
	_ =	sdelay $0x3  }
0x36: {  	p1 =	seq.s32 s10, $0x1;
	s10 =	sld [smem:$0x3FB6];
	_ =	sdelay $0x3  }
0x37: {  	[smem:$0x3FB6] =	sst s10  }
0x38: {  	s10 =	sld [smem:$0x3FB7]  }
0x39: {  	_ = 	snop;
	(pc) =	sbr.ind lr, $3  }
0x3a: {  	_ = 	snop  }
0x3b: {  	_ = 	snop  }
0x3c: {  	p2 =	seq.s32 s10, $0x1;
	s10 =	sld [smem:$0x3FB6]  }
0x3d: {  	_ =	shalt  }
0x3e: {  	_ =	shalt  }
0x3f: {  	_ =	shalt  }
0x40: {  	_ =	shalt  }
0x41: {  	_ =	shalt  }
0x42: {  	_ =	shalt  }
0x43: {  	_ =	shalt  }
0x44: {  	_ =	shalt  }
0x45: {  	_ =	shalt  }
0x46: {  	_ =	shalt  }
0x47: {  	_ =	shalt  }
0x48: {  	_ =	shalt  }
0x49: {  	_ =	shalt  }
0x4a: {  	_ =	shalt  }
0x4b: {  	_ =	shalt  }
0x4c: {  	_ =	shalt  }
0x4d: {  	_ =	shalt  }
0x4e: {  	_ =	shalt  }
0x4f: {  	_ =	shalt  }
0x50: {  	_ =	shalt  }
0x51: {  	_ =	shalt  }
0x52: {  	_ =	shalt  }
0x53: {  	_ =	shalt  }
0x54: {  	_ =	shalt  }
0x55: {  	_ =	shalt  }
0x56: {  	_ =	shalt  }
0x57: {  	_ =	shalt  }
0x58: {  	_ =	shalt  }
0x59: {  	_ =	shalt  }
0x5a: {  	_ =	shalt  }
0x5b: {  	_ =	shalt  }
0x5c: {  	_ =	shalt  }
0x5d: {  	_ =	shalt  }
0x5e: {  	_ =	shalt  }
0x5f: {  	_ =	shalt  }
0x60: {  	_ =	shalt  }
0x61: {  	_ =	shalt  }
0x62: {  	_ =	shalt  }
0x63: {  	_ =	shalt  }
0x64: {  	_ =	shalt  }
0x65: {  	_ =	shalt  }
0x66: {  	_ =	shalt  }
0x67: {  	_ =	shalt  }
0x68: {  	_ =	shalt  }
0x69: {  	_ =	shalt  }
0x6a: {  	_ =	shalt  }
0x6b: {  	_ =	shalt  }
0x6c: {  	_ =	shalt  }
0x6d: {  	_ =	shalt  }
0x6e: {  	_ =	shalt  }
0x6f: {  	_ =	shalt  }
0x70: {  	_ =	shalt  }
0x71: {  	_ =	shalt  }
0x72: {  	_ =	shalt  }
0x73: {  	_ =	shalt  }
0x74: {  	_ =	shalt  }
0x75: {  	_ =	shalt  }
0x76: {  	_ =	shalt  }
0x77: {  	_ =	shalt  }
0x78: {  	_ =	shalt  }
0x79: {  	_ =	shalt  }
0x7a: {  	_ =	shalt  }
0x7b: {  	_ =	shalt  }
0x7c: {  	_ =	shalt  }
0x7d: {  	_ =	shalt  }
0x7e: {  	_ =	shalt  }
0x7f: {  	_ =	shalt  }
0x80: {  	_ =	shalt  }
0x81: {  	_ =	shalt  }
0x82: {  	_ =	shalt  }
0x83: {  	_ =	shalt  }
0x84: {  	_ =	shalt  }
0x85: {  	_ =	shalt  }
0x86: {  	_ =	shalt  }
0x87: {  	_ =	shalt  }
.Lfunc_end0:
.L_simem_size_0:
called_computation.1_lowered:
.L_overlay_start_0:
0x88: {  	s2 =	sld [smem:$0x3FD9]  }
0x89: {  	s3 =	sld [smem:$0x3FFE];
	_ =	sdelay $0x1  }
0x8a: {  	s1 =	srdreg.scid  }
0x8b: {  	s0 =	sand.u32 $0x1, s1  }
0x8c: {  	s17 =	sshll.u32 s0, $0xA;
	s2 =	sadd.s32 s3, s2  }
0x8d: {  	s2 =	sadd.s32 s2, s17  }
0x8e: {  	[smem:$0x3FC2] =	sst s2  }
0x8f: {  	_ = 	snop  }
0x90: {  	(tm) =	ssettm $0x1  }
0x91: {  	s18 =	sld [smem:$0x3FFB];
	_ =	sdelay $0x3  }
0x92: {  	_ =	strace s18  }
0x93: {  	s2 =	sld [smem:$0x3FFC];
	_ =	sdelay $0x3  }
0x94: {  	_ =	strace s2  }
0x95: {  	s2 =	sld [smem:$0x3FFD];
	_ =	sdelay $0x3  }
0x96: {  	_ =	strace s2  }
0x97: {  	_ =	strace $0x8FFFFFFF  }
0x98: {  	s19 =	sld [smem:$0x3FDB];
	_ =	sdelay $0x1  }
0x99: {  	s20 =	simm.s32 $_scs_section_size  }
0x9a: {  	s4 =	simm.s32 $_size__tile_overlayer_lowered;
	s5 =	simm.s32 $_tile_overlayer_lowered  }
0x9b: {  	s6 =	simm.s32 $0x1BFF;
	s21 =	sshll.u32 s5, $0x1;
	s3 =	sadd.s32 s20, s19  }
0x9c: {  	s22 =	simm.s32 $0x0;
	s4 =	sshll.u32 s4, $0x1;
	s5 =	sadd.s32 s21, s3  }
0x9d: {  	[timem:s22], [sflag:s6] =	dma.local [hbm:s5], s4  }
0x9e: {  	_ =	swait.ge [sflag:s6], s4  }
0x9f: {  	s4 =	ssub.s32 $0x0, s4;
	[sflag:s6] =	ssyncset.done $0x0  }
0xa0: {  	[sflag:s6] =	ssyncadd.s32 s4;
	_ =	sdelay $0x1  }
0xa1: {  	s23 =	simm.s32 $0x1B8B  }
0xa2: {  	_ =	swait.ge [sflag:s23], $0x1  }
0xa3: {  	[sflag:s23] =	ssyncset.done $0x0  }
0xa4: {  	[sflag:s23] =	ssyncadd.s32 $0xFFFFFFFF  }
0xa5: {  	s4 =	sld [smem:$0x0]  }
0xa6: {  	s5 =	sand.u32 $0xFFFFFFFE, s1  }
0xa7: {  	p0 =	sne.s32 s1, s5  }
0xa8: {  	s5 =	sshll.u32 @p0 s5, $0xE  }
0xa9: {  	s5 =	sadd.s32 @p0 $0x11B8D, s5;
	s6 =	sshll.u32 @p0 s4, $0x11  }
0xaa: {  	s5 =	sor.u32 @p0 s6, s5  }
0xab: {  	[sflag:s5] =	ssyncadd.remote.s32 @p0 $0x1;
	_ =	sdelay $0x1  }
0xac: {  	s5 =	simm.s32 @p0 $0x1B8D  }
0xad: {  	_ =	swait.eq @p0 [sflag:s5], $0x1  }
0xae: {  	[sflag:s5] =	ssyncadd.s32 @p0 $0xFFFFFFFF  }
0xaf: {  	s6 =	sshll.u32 @!p0 s1, $0xE  }
0xb0: {  	s6 =	sor.u32 @!p0 $0x4000, s6;
	s5 =	simm.s32 @!p0 $0x1B8D  }
0xb1: {  	s4 =	sshll.u32 @!p0 s4, $0x11;
	s6 =	sadd.s32 @!p0 $0x11B8D, s6;
	_ =	swait.eq @!p0 [sflag:s5], $0x1  }
0xb2: {  	s4 =	sor.u32 @!p0 s4, s6;
	[sflag:s5] =	ssyncadd.s32 @!p0 $0xFFFFFFFF  }
0xb3: {  	s25 =	simm.s32 $0x1B8E;
	s24 =	sld [smem:$0x3FFE];
	[sflag:s4] =	ssyncadd.remote.s32 @!p0 $0x1  }
0xb4: {  	s26 =	simm.s32 $execute0_lowered;
	[smem:$0x3FD2] =	sst s25  }
0xb5: {  	s5 =	sshll.u32 s26, $0x1;
	_ =	strace $0x8000004C;
	[dreg:$0x1] =	wrdreg $0xFFFFFFFF  }
0xb6: {  	s28 =	simm.s32 $_size_execute0_lowered;
	s3 =	sadd.s32 s3, s5;
	[dreg:$0x0] =	wrdreg $0x0  }
0xb7: {  	s5 =	sshll.u32 s28, $0x1;
	[dreg:$0x2] =	wrdreg s3  }
0xb8: {  	[dreg:$0x3] =	wrdreg s5  }
0xb9: {  	[dreg:$0x4] =	wrdreg $0xC0  }
0xba: {  	_ =	task [dreg:s22], $0x5FFFF  }
0xbb: {  	[dreg:$0x1] =	wrdreg $0xFFFFFFFF  }
0xbc: {  	[dreg:$0x0] =	wrdreg $0x60  }
0xbd: {  	[dreg:$0x2] =	wrdreg s24  }
0xbe: {  	[dreg:$0x3] =	wrdreg $0xA8000  }
0xbf: {  	[dreg:$0x4] =	wrdreg $0x9  }
0xc0: {  	_ =	task.clear_ibuf [dreg:s22], $0x5FFFF;
	_ =	strace $0x9000004C  }
0xc1: {  	s29 =	simm.s32 $0x9;
	_ =	strace $0x8000004E  }
0xc2: {  	_ =	swait.ge [sflag:s29], $0x1  }
0xc3: {  	[sflag:s29] =	ssyncadd.s32 $0xFFFFFFFF  }
0xc4: {  	_ =	strace $0x9000004E  }
0xc5: {  	_ =	sfence  }
0xc6: {  	s30 =	sld [smem:$0x0];
	_ =	sdelay $0x2  }
0xc7: {  	s31 =	sshll.u32 s1, $0xD;
	s1 =	sshrl.u32 s1, $0x2  }
0xc8: {  	s4 =	sand.u32 $0x4000, s31;
	s1 =	sadd.s32 s1, s30  }
0xc9: {  	s0 =	sor.u32 s4, s0;
	s1 =	sshll.u32 s1, $0x11  }
0xca: {  	s0 =	sor.u32 s1, s0  }
0xcb: {  	s0 =	sadd.s32 $0x8F2B, s0  }
0xcc: {  	[sflag:s0] =	ssyncadd.remote.s32 $0x1  }
0xcd: {  	_ =	sfence.sel $0xFFFF  }
0xce: {  	[dreg:$0x0] =	wrdreg $0xFFFFFFFF;
	(pc) =	sbr.abs _section_cstart, $3  }
0xcf: {  	[dreg:$0x1] =	wrdreg $0xFFFFFFFF  }
0xd0: {  	_ =	task.clear_ibuf [dreg:s22], $0x2FFFF;
	_ =	strace $0x9FFFFFFF  }
0xd1: {  	(tm) =	ssettm $0x7FFFFFFF  }
tec
execute0_lowered:
.L_overlay_start_1:
0x0: {  	(tag) =	ssettag $0x1  }
0x1: {  	s5 =	rddreg [dreg:$0x0]  }
0x2: {  	s1 =	rddreg [dreg:$0x1]  }
0x3: {  	s0 =	rddreg [dreg:$0x2];
	s3 =	simm.s32 $0x0;
	s4 =	srdreg.scid  }
0x4: {  	s2 =	stileid.u32;
	s14 =	simm.s32 $0x50;
	s15 =	simm.s32 $0x8000  }
0x5: {  	s16 =	simm.s32 $0x1;
	s17 =	simm.s32 $0x0;
	[smem:$0x7FF] =	sst s3  }
0x6: {  	s6 =	sand.u32 $0x1, s4;
	s7 =	sshll.u32 s2, $0xB;
	s8 =	smul.u32 $0x14000, s2  }
0x7: {  	s29 =	smul.u32 $0x50000, s2;
	s31 =	sshll.u32 s2, $0x6;
	s4 =	sshll.u32 s6, $0xF  }
0x8: {  	_ =	strace $0x8000004D;
	s9 =	smul.u32 $0x140000, s6;
	s6 =	ssub.s32 $0x2, s6  }
0x9: {  	s7 =	sor.u32 s7, s4;
	s4 =	sadd.s32 $0x9A000, s5;
	s28 =	sshrl.u32 s8, $0x3  }
0xa: {  	s11 =	sshrl.u32 s6, $0x1;
	s30 =	sshrl.u32 s29, $0x2;
	s10 =	sadd.s32 s7, s5  }
0xb: {  	s8 =	sadd.s32 s8, s9;
	s7 =	sadd.s32 s28, s5;
	s11 =	ssub.s32 s6, s11  }
0xc: {  	s13 =	sadd.s32 s30, s1;
	s6 =	sor.u32 $0x1C02, s31;
	s8 =	sshrl.u32 s8, $0x3  }
0xd: {  	s12 =	sadd.s32 s8, s5;
	s5 =	sadd.s32 $0x22000, s7;
	s7 =	sadd.s32 $0x12000, s10  }
0xe: {  	s8 =	sadd.s32 $0x2000, s10;
	s10 =	smax.u32 s11, $0x1;
	s11 =	sshrl.u32 s13, $0x3  }
0xf: {  	s13 =	simm.s32 $0x4000;
	s9 =	sadd.s32 $0x111200, s12;
	s12 =	simm.s32 $0x2  }
.LBB2_1:
0x10: {  	[spmem:s11], [sflag:s6] =	dma.local [hbm:s5], $0x2800  }
0x11: {  	_ =	swait.ge [sflag:s12], $0x2800  }
0x12: {  	[sflag:s12] =	ssyncset.done $0x0  }
0x13: {  	[sflag:s12] =	ssyncadd.s32 $0xFFFFD800  }
0x14: {  	[tilespmem:s3], [sflag:$0x2] =	stream.linear.gather [hbm4b:s7+s3], $0x3E80, $0x38;
	[tilespmem:$0x1E800] =	vst v63  }
0x15: {  	_ =	swait.ge [sflag:s12], $0x3E80  }
0x16: {  	[sflag:s12] =	ssyncset.done $0x0  }
0x17: {  	[sflag:s12] =	ssyncadd.s32 $0xFFFFC180  }
0x18: {  	[tilespmem:s13], [sflag:$0x2] =	stream.linear.gather [hbm4b:s8+s3], $0x3E80, $0x38;
	[tilespmem:$0x1E800] =	vst v63  }
0x19: {  	_ =	swait.ge [sflag:s12], $0x3E80  }
0x1a: {  	[sflag:s12] =	ssyncset.done $0x0  }
0x1b: {  	[sflag:s12] =	ssyncadd.s32 $0xFFFFC180  }
0x1c: {  	s18 =	simm.s32 $0x0;
	[bflag:$0x0] =	sbarrier.arrive $0xFFFF  }
0x1d: {  	[tilespmem:s15], [sflag:$0x1] =	stream.indirect.gather [hbm4b:s4+s14], $0x80, s18, s14, $0xb8;
	[tilespmem:$0x1E800] =	vst v63  }
0x1e: {  	_ =	swait.ge [sflag:s16], $0x2800  }
0x1f: {  	[sflag:s16] =	ssyncset.done $0x0  }
0x20: {  	s31 =	simm.s32 $0x4000;
	[sflag:s16] =	ssyncadd.s32 $0xFFFFD800  }
0x21: {  	[spmem:s1] =	stream.indirect.scatter.add.f32 [tilespmem:s15], [sflag:$0x2], $0x80, s31, s14, $0xb8;
	[tilespmem:$0x1E800] =	vst v63  }
0x22: {  	_ =	swait.ge [sflag:s12], $0x2800  }
0x23: {  	s19 =	simm.s32 $0x400;
	s18 =	simm.s32 $0x200;
	[sflag:s12] =	ssyncset.done $0x0  }
.LBB2_2:
0x24: {  	s20 =	sshra.s32 s18, $0x2  }
0x25: {  	[sflag:s12] =	ssyncadd.s32 $0xFFFFD800;
	s18 =	smov.u32 s19;
	s21 =	sadd.s32 $0x200, s19  }
0x26: {  	[tilespmem:s15], [sflag:$0x1] =	stream.indirect.gather [hbm4b:s4+s14], $0x80, s20, s14, $0xb8;
	[tilespmem:$0x1E800] =	vst v63  }
0x27: {  	p0 =	sne.s32 s19, $0xF800;
	_ =	swait.ge [sflag:s16], $0x2800  }
.Ltmp0:
0x28: {  	[sflag:s16] =	ssyncset.done $0x0;
	(pc) =	sbr.rel @p0 .LBB2_2-.Ltmp0, $4  }
0x29: {  	s19 =	sadd.s32 $0x4000, s20;
	[sflag:s16] =	ssyncadd.s32 $0xFFFFD800  }
0x2a: {  	[spmem:s1] =	stream.indirect.scatter.add.f32 [tilespmem:s15], [sflag:$0x2], $0x80, s19, s14, $0xb8;
	[tilespmem:$0x1E800] =	vst v63  }
0x2b: {  	_ =	swait.ge [sflag:s12], $0x2800  }
0x2c: {  	s19 =	smov.u32 s21;
	[sflag:s12] =	ssyncset.done $0x0  }
0x2d: {  	s18 =	sshra.s32 s18, $0x2;
	[sflag:s12] =	ssyncadd.s32 $0xFFFFD800  }
0x2e: {  	[tilespmem:s15], [sflag:$0x1] =	stream.indirect.gather [hbm4b:s4+s14], $0x80, s18, s14, $0xb8;
	[tilespmem:$0x1E800] =	vst v63  }
0x2f: {  	_ =	swait.ge [sflag:s16], $0x2800  }
0x30: {  	[sflag:s16] =	ssyncset.done $0x0  }
0x31: {  	s18 =	sadd.s32 $0x4000, s18;
	[sflag:s16] =	ssyncadd.s32 $0xFFFFD800  }
0x32: {  	[spmem:s1] =	stream.indirect.scatter.add.f32 [tilespmem:s15], [sflag:$0x2], $0x80, s18, s14, $0xb8;
	[tilespmem:$0x1E800] =	vst v63  }
0x33: {  	_ =	swait.ge [sflag:s12], $0x2800  }
0x34: {  	s17 =	sadd.s32 $0x1, s17;
	[sflag:s12] =	ssyncset.done $0x0  }
0x35: {  	p0 =	sne.s32 s17, s10;
	[sflag:s12] =	ssyncadd.s32 $0xFFFFD800  }
.Ltmp1:
0x36: {  	[bflag:$0x0] =	sbarrier.arrive $0xFFFF;
	(pc) =	sbr.rel @p0 .LBB2_1-.Ltmp1, $4  }
0x37: {  	[hbm:s9], [sflag:s6] =	dma.local [spmem:s11], $0x2800  }
0x38: {  	_ =	swait.ge [sflag:s12], $0x2800  }
0x39: {  	[sflag:s12] =	ssyncset.done $0x0  }
0x3a: {  	[sflag:s12] =	ssyncadd.s32 $0xFFFFD800  }
0x3b: {  	_ =	sfence.sel $0x180000  }
0x3c: {  	[bflag:$0x0] =	sbarrier.arrive $0xFFFF  }
0x3d: {  	p0 =	sne.s32 s2, $0x0;
	_ =	strace $0x9000004D  }
0x3e: {  	s0 =	sadd.s32 @!p0 $0x100000, s0;
	[bflag:$0x2] =	sbarrier.arrive $0xFFFF  }
0x3f: {  	[sflag:s0] =	ssyncadd.tile.s32 @!p0 $0x1;
	_ =	shalt  }
.Lfunc_end2:
_tile_overlayer_lowered:
.L_overlay_start_2:
0x40: {  	(tag) =	ssettag $0x2  }
0x41: {  	s0 =	rddreg [dreg:$0x0];
	s2 =	stileid.u32  }
0x42: {  	s1 =	rddreg [dreg:$0x1];
	p0 =	sne.s32 s2, $0x0  }
0x43: {  	s3 =	rddreg [dreg:$0x2];
	[bflag:$0x3] =	sbarrier.arrive $0xFFFF;
	s2 =	simm.s32 @!p0 $0x1C02  }
0x44: {  	[timem:s3], [sflag:s2] =	dma.local @!p0 [hbm:s0], s1  }
0x45: {  	s0 =	simm.s32 @!p0 $0x2  }
0x46: {  	_ =	swait.ge @!p0 [sflag:s0], s1  }
0x47: {  	s1 =	ssub.s32 @!p0 $0x0, s1;
	[sflag:s0] =	ssyncset.done @!p0 $0x0  }
0x48: {  	[sflag:s0] =	ssyncadd.s32 @!p0 s1  }
0x49: {  	[bflag:$0x3] =	sbarrier.arrive $0xFFFF  }
0x4a: {  	_ =	shalt  }

// kernel: kernel.15.cloned.1.call-start
scs
__scs_entry_jumppad:
0x0: {  	(pc) =	sbr.rel $0x88, $3  }
0x1: {  	(tag) =	ssettag $0x0;
	lr =	simm.s32 $0x1  }
0x2: {  	[smem:$0x3F9B] =	sst lr;
	_ =	strace $0xD0000000  }
0x3: {  	_ = 	snop  }
0x4: {  	_ = 	snop  }
0x5: {  	_ = 	snop  }
0x6: {  	_ = 	snop  }
0x7: {  	_ = 	snop  }
__scs_overlays_trampoline_lowered:
0x8: {  	[smem:$0x3FAA] =	sst s0  }
0x9: {  	[smem:$0x3FAB] =	sst s1  }
0xa: {  	[smem:$0x3FAC] =	sst s2  }
0xb: {  	[smem:$0x3FAD] =	sst s3  }
0xc: {  	[smem:$0x3FAE] =	sst s4  }
0xd: {  	[smem:$0x3FAF] =	sst s5  }
0xe: {  	[smem:$0x3FB0] =	sst s6  }
0xf: {  	[smem:$0x3FB1] =	sst s7  }
0x10: {  	[smem:$0x3FB2] =	sst s8  }
0x11: {  	[smem:$0x3FB3] =	sst s9;
	s0 =	simm.s32 @!p0 $0x0  }
0x12: {  	s1 =	sld [smem:$0x3F99];
	s0 =	simm.s32 @p0 $0x1  }
0x13: {  	[smem:$0x3FB4] =	sst s0;
	s0 =	simm.s32 @!p1 $0x0  }
0x14: {  	s2 =	sld [smem:$0x3F98];
	s0 =	simm.s32 @p1 $0x1  }
0x15: {  	[smem:$0x3FB5] =	sst s0;
	s0 =	simm.s32 @!p2 $0x0  }
0x16: {  	s3 =	sld [smem:$0x3FDB];
	s0 =	simm.s32 @p2 $0x1  }
0x17: {  	s4 =	simm.s32 $0x1BF5;
	[smem:$0x3FB7] =	sst s0  }
0x18: {  	s0 =	sld [smem:$0x3F9A];
	_ =	swait.ge [sflag:s4], $0x0  }
0x19: {  	s7 =	sld [smem:$0x3F9B]  }
0x1a: {  	s8 =	sadd.s32 $0xFFFFE003, lr  }
0x1b: {  	s9 =	sadd.s32 $0xFFFFFEF7, lr;
	s5 =	simm.s32 $0xFFFFFFFF;
	p2 =	slt.u32 s8, $0xFFFFF086  }
0x1c: {  	p1 =	slt.u32 s9, $0xF7A;
	s5 =	simm.s32 @!p2 $0x0  }
0x1d: {  	s5 =	simm.s32 @p1 $0x1;
	p0 =	seq.s32 s7, s2  }
0x1e: {  	s7 =	smul.u32 @!p0 $0xF7A, s2;
	p2 =	seq.s32 @!p0 s5, $0x0  }
0x1f: {  	s9 =	smul.u32 $0xF7A, s1;
	s8 =	simm.s32 @!p0 $0x1BF5;
	p2 =	por !p2, p0  }
0x20: {  	[sflag:s8] =	ssyncset.s32 @!p0 $0xFFFFF086;
	s6 =	sadd.s32 @!p0 s3, s7;
	s7 =	simm.s32 @!p0 $0x108  }
0x21: {  	s3 =	sadd.s32 s3, s9;
	s6 =	sadd.s32 @!p0 $0x88, s6;
	s7 =	simm.s32 @p2 $0x1082  }
0x22: {  	[simem:s7], [sflag:s8] =	dma.local @!p0 [hbm:s6], $0xF7A  }
0x23: {  	s9 =	sor.u32 $0xD0000000, s2;
	s6 =	simm.s32 $0x108;
	_ =	swait.ge @!p0 [sflag:s8], $0x0  }
0x24: {  	s3 =	sadd.s32 $0x88, s3;
	s6 =	simm.s32 @!p1 $0x1082;
	[sflag:s4] =	ssyncset.s32 $0xFFFFF086  }
0x25: {  	[simem:s6], [sflag:s4] =	dma.local [hbm:s3], $0xF7A  }
0x26: {  	[smem:$0x3F9B] =	sst s1;
	(tag) =	ssettag s2;
	_ =	strace s9  }
0x27: {  	s1 =	sld [smem:$0x3FAB]  }
0x28: {  	s2 =	sld [smem:$0x3FAC]  }
0x29: {  	s4 =	sld [smem:$0x3FAE]  }
0x2a: {  	p0 =	seq.s32 s5, $0x0;
	s5 =	sld [smem:$0x3FAF]  }
0x2b: {  	s6 =	sld [smem:$0x3FB0]  }
0x2c: {  	s7 =	sld [smem:$0x3FB1]  }
0x2d: {  	s3 =	simm.s32 $0x108;
	s8 =	sld [smem:$0x3FB2]  }
0x2e: {  	s3 =	simm.s32 @!p0 $0x1082;
	s9 =	sld [smem:$0x3FB3]  }
0x2f: {  	lr =	sadd.s32 s0, s3;
	s0 =	sld [smem:$0x3FAA]  }
0x30: {  	s3 =	sld [smem:$0x3FAD]  }
0x31: {  	[smem:$0x3FB6] =	sst s10  }
0x32: {  	s10 =	sld [smem:$0x3FB4];
	_ =	sdelay $0x3  }
0x33: {  	p0 =	seq.s32 s10, $0x1;
	s10 =	sld [smem:$0x3FB6];
	_ =	sdelay $0x3  }
0x34: {  	[smem:$0x3FB6] =	sst s10  }
0x35: {  	s10 =	sld [smem:$0x3FB5];
	_ =	sdelay $0x3  }
0x36: {  	p1 =	seq.s32 s10, $0x1;
	s10 =	sld [smem:$0x3FB6];
	_ =	sdelay $0x3  }
0x37: {  	[smem:$0x3FB6] =	sst s10  }
0x38: {  	s10 =	sld [smem:$0x3FB7]  }
0x39: {  	_ = 	snop;
	(pc) =	sbr.ind lr, $3  }
0x3a: {  	_ = 	snop  }
0x3b: {  	_ = 	snop  }
0x3c: {  	p2 =	seq.s32 s10, $0x1;
	s10 =	sld [smem:$0x3FB6]  }
0x3d: {  	_ =	shalt  }
0x3e: {  	_ =	shalt  }
0x3f: {  	_ =	shalt  }
0x40: {  	_ =	shalt  }
0x41: {  	_ =	shalt  }
0x42: {  	_ =	shalt  }
0x43: {  	_ =	shalt  }
0x44: {  	_ =	shalt  }
0x45: {  	_ =	shalt  }
0x46: {  	_ =	shalt  }
0x47: {  	_ =	shalt  }
0x48: {  	_ =	shalt  }
0x49: {  	_ =	shalt  }
0x4a: {  	_ =	shalt  }
0x4b: {  	_ =	shalt  }
0x4c: {  	_ =	shalt  }
0x4d: {  	_ =	shalt  }
0x4e: {  	_ =	shalt  }
0x4f: {  	_ =	shalt  }
0x50: {  	_ =	shalt  }
0x51: {  	_ =	shalt  }
0x52: {  	_ =	shalt  }
0x53: {  	_ =	shalt  }
0x54: {  	_ =	shalt  }
0x55: {  	_ =	shalt  }
0x56: {  	_ =	shalt  }
0x57: {  	_ =	shalt  }
0x58: {  	_ =	shalt  }
0x59: {  	_ =	shalt  }
0x5a: {  	_ =	shalt  }
0x5b: {  	_ =	shalt  }
0x5c: {  	_ =	shalt  }
0x5d: {  	_ =	shalt  }
0x5e: {  	_ =	shalt  }
0x5f: {  	_ =	shalt  }
0x60: {  	_ =	shalt  }
0x61: {  	_ =	shalt  }
0x62: {  	_ =	shalt  }
0x63: {  	_ =	shalt  }
0x64: {  	_ =	shalt  }
0x65: {  	_ =	shalt  }
0x66: {  	_ =	shalt  }
0x67: {  	_ =	shalt  }
0x68: {  	_ =	shalt  }
0x69: {  	_ =	shalt  }
0x6a: {  	_ =	shalt  }
0x6b: {  	_ =	shalt  }
0x6c: {  	_ =	shalt  }
0x6d: {  	_ =	shalt  }
0x6e: {  	_ =	shalt  }
0x6f: {  	_ =	shalt  }
0x70: {  	_ =	shalt  }
0x71: {  	_ =	shalt  }
0x72: {  	_ =	shalt  }
0x73: {  	_ =	shalt  }
0x74: {  	_ =	shalt  }
0x75: {  	_ =	shalt  }
0x76: {  	_ =	shalt  }
0x77: {  	_ =	shalt  }
0x78: {  	_ =	shalt  }
0x79: {  	_ =	shalt  }
0x7a: {  	_ =	shalt  }
0x7b: {  	_ =	shalt  }
0x7c: {  	_ =	shalt  }
0x7d: {  	_ =	shalt  }
0x7e: {  	_ =	shalt  }
0x7f: {  	_ =	shalt  }
0x80: {  	_ =	shalt  }
0x81: {  	_ =	shalt  }
0x82: {  	_ =	shalt  }
0x83: {  	_ =	shalt  }
0x84: {  	_ =	shalt  }
0x85: {  	_ =	shalt  }
0x86: {  	_ =	shalt  }
0x87: {  	_ =	shalt  }
.Lfunc_end0:
.L_simem_size_0:
called_computation.2_lowered:
.L_overlay_start_0:
0x88: {  	s2 =	sld [smem:$0x3FD9]  }
0x89: {  	s3 =	sld [smem:$0x3FFE];
	_ =	sdelay $0x1  }
0x8a: {  	s1 =	srdreg.scid  }
0x8b: {  	s0 =	sand.u32 $0x1, s1  }
0x8c: {  	s17 =	sshll.u32 s0, $0xA;
	s2 =	sadd.s32 s3, s2  }
0x8d: {  	s2 =	sadd.s32 s2, s17  }
0x8e: {  	[smem:$0x3FC2] =	sst s2  }
0x8f: {  	_ = 	snop  }
0x90: {  	s2 =	sld [smem:$0x3FD0];
	(tm) =	ssettm $0x1  }
0x91: {  	s18 =	sld [smem:$0x3FFB];
	_ =	sdelay $0x3  }
0x92: {  	_ =	strace s18  }
0x93: {  	s3 =	sld [smem:$0x3FFC];
	_ =	sdelay $0x3  }
0x94: {  	_ =	strace s3  }
0x95: {  	s3 =	sld [smem:$0x3FFD];
	_ =	sdelay $0x3  }
0x96: {  	_ =	strace s3  }
0x97: {  	_ =	strace $0x8FFFFFFF  }
0x98: {  	s19 =	sld [smem:$0x3FDB];
	_ =	sdelay $0x1  }
0x99: {  	s4 =	simm.s32 $_scs_section_size  }
0x9a: {  	s5 =	simm.s32 $_size__tile_overlayer_lowered;
	s6 =	simm.s32 $_tile_overlayer_lowered  }
0x9b: {  	s22 =	simm.s32 $0x1BFF;
	s21 =	sshll.u32 s6, $0x1;
	s3 =	sadd.s32 s4, s19  }
0x9c: {  	s7 =	simm.s32 $0x0;
	s20 =	sshll.u32 s5, $0x1;
	s5 =	sadd.s32 s21, s3  }
0x9d: {  	[timem:s7], [sflag:s22] =	dma.local [hbm:s5], s20  }
0x9e: {  	_ =	swait.ge [sflag:s22], s20  }
0x9f: {  	s4 =	ssub.s32 $0x0, s20;
	[sflag:s22] =	ssyncset.done $0x0  }
0xa0: {  	[sflag:s22] =	ssyncadd.s32 s4;
	_ =	sdelay $0x1  }
0xa1: {  	s23 =	simm.s32 $0x1B8B  }
0xa2: {  	_ =	swait.ge [sflag:s23], $0x1  }
0xa3: {  	[sflag:s23] =	ssyncset.done $0x0  }
0xa4: {  	s25 =	simm.s32 $0x1B8E;
	s24 =	sld [smem:$0x3FFE];
	[sflag:s23] =	ssyncadd.s32 $0xFFFFFFFF  }
0xa5: {  	s26 =	simm.s32 $execute0_lowered;
	[smem:$0x3FD2] =	sst s25  }
0xa6: {  	s5 =	sshll.u32 s26, $0x1;
	_ =	strace $0x80000049;
	[dreg:$0x1] =	wrdreg $0xFFFFFFFF  }
0xa7: {  	s28 =	simm.s32 $_size_execute0_lowered;
	s3 =	sadd.s32 s3, s5;
	[dreg:$0x0] =	wrdreg $0x0  }
0xa8: {  	s5 =	sshll.u32 s28, $0x1;
	[dreg:$0x2] =	wrdreg s3  }
0xa9: {  	[dreg:$0x3] =	wrdreg s5  }
0xaa: {  	[dreg:$0x4] =	wrdreg $0xC0  }
0xab: {  	_ =	task [dreg:s7], $0x5FFFF  }
0xac: {  	[dreg:$0x1] =	wrdreg $0xFFFFFFFF  }
0xad: {  	[dreg:$0x0] =	wrdreg $0x60  }
0xae: {  	[dreg:$0x2] =	wrdreg s2  }
0xaf: {  	[dreg:$0x3] =	wrdreg s24  }
0xb0: {  	[dreg:$0x4] =	wrdreg $0xA8000  }
0xb1: {  	[dreg:$0x5] =	wrdreg $0xA  }
0xb2: {  	_ =	task.clear_ibuf [dreg:s7], $0x6FFFF;
	_ =	strace $0x90000049  }
0xb3: {  	s29 =	simm.s32 $0xA;
	_ =	strace $0x8000004B  }
0xb4: {  	_ =	swait.ge [sflag:s29], $0x1  }
0xb5: {  	[sflag:s29] =	ssyncadd.s32 $0xFFFFFFFF  }
0xb6: {  	_ =	strace $0x9000004B  }
0xb7: {  	_ =	sfence  }
0xb8: {  	s30 =	sld [smem:$0x0];
	_ =	sdelay $0x2  }
0xb9: {  	s31 =	sshll.u32 s1, $0xD;
	s1 =	sshrl.u32 s1, $0x2  }
0xba: {  	s3 =	sand.u32 $0x4000, s31;
	s1 =	sadd.s32 s1, s30  }
0xbb: {  	s0 =	sor.u32 s3, s0;
	s1 =	sshll.u32 s1, $0x11  }
0xbc: {  	s0 =	sor.u32 s1, s0  }
0xbd: {  	s0 =	sadd.s32 $0x8F2B, s0  }
0xbe: {  	[sflag:s0] =	ssyncadd.remote.s32 $0x1  }
0xbf: {  	_ =	sfence.sel $0xFFFF  }
0xc0: {  	[dreg:$0x0] =	wrdreg $0xFFFFFFFF;
	(pc) =	sbr.abs _section_cstart, $3  }
0xc1: {  	[dreg:$0x1] =	wrdreg $0xFFFFFFFF  }
0xc2: {  	_ =	task.clear_ibuf [dreg:s7], $0x2FFFF;
	_ =	strace $0x9FFFFFFF  }
0xc3: {  	(tm) =	ssettm $0x7FFFFFFF  }
tec
execute0_lowered:
.L_overlay_start_1:
0x0: {  	(tag) =	ssettag $0x1  }
0x1: {  	s1 =	rddreg [dreg:$0x0]  }
0x2: {  	s5 =	rddreg [dreg:$0x1]  }
0x3: {  	s3 =	rddreg [dreg:$0x2]  }
0x4: {  	s0 =	rddreg [dreg:$0x3];
	s6 =	srdreg.scid  }
0x5: {  	s4 =	simm.s32 $0x0;
	s2 =	stileid.u32;
	s14 =	simm.s32 $0x50  }
0x6: {  	s15 =	simm.s32 $0x8000;
	s16 =	simm.s32 $0x1;
	s17 =	simm.s32 $0x0  }
0x7: {  	s6 =	sand.u32 $0x1, s6;
	s8 =	sshll.u32 s2, $0xB;
	s9 =	smul.u32 $0x14000, s2  }
0x8: {  	[smem:$0x7FF] =	sst s4;
	s29 =	smul.u32 $0x50000, s2;
	s31 =	sshll.u32 s2, $0x6  }
0x9: {  	s7 =	sshll.u32 s6, $0xF;
	s26 =	smul.u32 $0x140000, s6;
	_ =	strace $0x8000004A  }
0xa: {  	s6 =	ssub.s32 $0x2, s6;
	s7 =	sor.u32 s8, s7;
	s28 =	sshrl.u32 s9, $0x3  }
0xb: {  	s11 =	sshrl.u32 s6, $0x1;
	s30 =	sshrl.u32 s29, $0x2;
	s10 =	sadd.s32 s7, s5  }
0xc: {  	s8 =	sadd.s32 s9, s26;
	s7 =	sadd.s32 s28, s5;
	s11 =	ssub.s32 s6, s11  }
0xd: {  	s13 =	sadd.s32 s30, s3;
	s6 =	sor.u32 $0x1C02, s31;
	s8 =	sshrl.u32 s8, $0x3  }
0xe: {  	s12 =	sadd.s32 s8, s5;
	s5 =	sadd.s32 $0x22000, s7;
	s7 =	sadd.s32 $0x12000, s10  }
0xf: {  	s8 =	sadd.s32 $0x2000, s10;
	s10 =	smax.u32 s11, $0x1;
	s11 =	sshrl.u32 s13, $0x3  }
0x10: {  	s13 =	simm.s32 $0x4000;
	s9 =	sadd.s32 $0xC1200, s12;
	s12 =	simm.s32 $0x2  }
.LBB2_1:
0x11: {  	[spmem:s11], [sflag:s6] =	dma.local [hbm:s5], $0x2800  }
0x12: {  	_ =	swait.ge [sflag:s12], $0x2800  }
0x13: {  	[sflag:s12] =	ssyncset.done $0x0  }
0x14: {  	[sflag:s12] =	ssyncadd.s32 $0xFFFFD800  }
0x15: {  	[tilespmem:s4], [sflag:$0x2] =	stream.linear.gather [hbm4b:s7+s4], $0x3E80, $0x38;
	[tilespmem:$0x1E800] =	vst v63  }
0x16: {  	_ =	swait.ge [sflag:s12], $0x3E80  }
0x17: {  	[sflag:s12] =	ssyncset.done $0x0  }
0x18: {  	[sflag:s12] =	ssyncadd.s32 $0xFFFFC180  }
0x19: {  	[tilespmem:s13], [sflag:$0x2] =	stream.linear.gather [hbm4b:s8+s4], $0x3E80, $0x38;
	[tilespmem:$0x1E800] =	vst v63  }
0x1a: {  	_ =	swait.ge [sflag:s12], $0x3E80  }
0x1b: {  	[sflag:s12] =	ssyncset.done $0x0  }
0x1c: {  	[sflag:s12] =	ssyncadd.s32 $0xFFFFC180  }
0x1d: {  	s18 =	simm.s32 $0x0;
	[bflag:$0x0] =	sbarrier.arrive $0xFFFF  }
0x1e: {  	[tilespmem:s15], [sflag:$0x1] =	stream.indirect.gather [hbm4b:s1+s14], $0x80, s18, s14, $0xb8;
	[tilespmem:$0x1E800] =	vst v63  }
0x1f: {  	_ =	swait.ge [sflag:s16], $0x2800  }
0x20: {  	[sflag:s16] =	ssyncset.done $0x0  }
0x21: {  	s31 =	simm.s32 $0x4000;
	[sflag:s16] =	ssyncadd.s32 $0xFFFFD800  }
0x22: {  	[spmem:s3] =	stream.indirect.scatter.add.f32 [tilespmem:s15], [sflag:$0x2], $0x80, s31, s14, $0xb8;
	[tilespmem:$0x1E800] =	vst v63  }
0x23: {  	_ =	swait.ge [sflag:s12], $0x2800  }
0x24: {  	s19 =	simm.s32 $0x400;
	s18 =	simm.s32 $0x200;
	[sflag:s12] =	ssyncset.done $0x0  }
.LBB2_2:
0x25: {  	s20 =	sshra.s32 s18, $0x2  }
0x26: {  	[sflag:s12] =	ssyncadd.s32 $0xFFFFD800;
	s18 =	smov.u32 s19;
	s21 =	sadd.s32 $0x200, s19  }
0x27: {  	[tilespmem:s15], [sflag:$0x1] =	stream.indirect.gather [hbm4b:s1+s14], $0x80, s20, s14, $0xb8;
	[tilespmem:$0x1E800] =	vst v63  }
0x28: {  	p0 =	sne.s32 s19, $0xF800;
	_ =	swait.ge [sflag:s16], $0x2800  }
.Ltmp0:
0x29: {  	[sflag:s16] =	ssyncset.done $0x0;
	(pc) =	sbr.rel @p0 .LBB2_2-.Ltmp0, $4  }
0x2a: {  	s19 =	sadd.s32 $0x4000, s20;
	[sflag:s16] =	ssyncadd.s32 $0xFFFFD800  }
0x2b: {  	[spmem:s3] =	stream.indirect.scatter.add.f32 [tilespmem:s15], [sflag:$0x2], $0x80, s19, s14, $0xb8;
	[tilespmem:$0x1E800] =	vst v63  }
0x2c: {  	_ =	swait.ge [sflag:s12], $0x2800  }
0x2d: {  	s19 =	smov.u32 s21;
	[sflag:s12] =	ssyncset.done $0x0  }
0x2e: {  	s18 =	sshra.s32 s18, $0x2;
	[sflag:s12] =	ssyncadd.s32 $0xFFFFD800  }
0x2f: {  	[tilespmem:s15], [sflag:$0x1] =	stream.indirect.gather [hbm4b:s1+s14], $0x80, s18, s14, $0xb8;
	[tilespmem:$0x1E800] =	vst v63  }
0x30: {  	_ =	swait.ge [sflag:s16], $0x2800  }
0x31: {  	[sflag:s16] =	ssyncset.done $0x0  }
0x32: {  	s18 =	sadd.s32 $0x4000, s18;
	[sflag:s16] =	ssyncadd.s32 $0xFFFFD800  }
0x33: {  	[spmem:s3] =	stream.indirect.scatter.add.f32 [tilespmem:s15], [sflag:$0x2], $0x80, s18, s14, $0xb8;
	[tilespmem:$0x1E800] =	vst v63  }
0x34: {  	_ =	swait.ge [sflag:s12], $0x2800  }
0x35: {  	s17 =	sadd.s32 $0x1, s17;
	[sflag:s12] =	ssyncset.done $0x0  }
0x36: {  	p0 =	sne.s32 s17, s10;
	[sflag:s12] =	ssyncadd.s32 $0xFFFFD800  }
.Ltmp1:
0x37: {  	[bflag:$0x0] =	sbarrier.arrive $0xFFFF;
	(pc) =	sbr.rel @p0 .LBB2_1-.Ltmp1, $4  }
0x38: {  	[hbm:s9], [sflag:s6] =	dma.local [spmem:s11], $0x2800  }
0x39: {  	_ =	swait.ge [sflag:s12], $0x2800  }
0x3a: {  	[sflag:s12] =	ssyncset.done $0x0  }
0x3b: {  	[sflag:s12] =	ssyncadd.s32 $0xFFFFD800  }
0x3c: {  	_ =	sfence.sel $0x180000  }
0x3d: {  	[bflag:$0x0] =	sbarrier.arrive $0xFFFF  }
0x3e: {  	p0 =	sne.s32 s2, $0x0;
	_ =	strace $0x9000004A  }
0x3f: {  	s0 =	sadd.s32 @!p0 $0x100000, s0;
	[bflag:$0x2] =	sbarrier.arrive $0xFFFF  }
0x40: {  	[sflag:s0] =	ssyncadd.tile.s32 @!p0 $0x1;
	_ =	shalt  }
.Lfunc_end2:
_tile_overlayer_lowered:
.L_overlay_start_2:
0x41: {  	(tag) =	ssettag $0x2  }
0x42: {  	s0 =	rddreg [dreg:$0x0];
	s2 =	stileid.u32  }
0x43: {  	s1 =	rddreg [dreg:$0x1];
	p0 =	sne.s32 s2, $0x0  }
0x44: {  	s3 =	rddreg [dreg:$0x2];
	[bflag:$0x3] =	sbarrier.arrive $0xFFFF;
	s2 =	simm.s32 @!p0 $0x1C02  }
0x45: {  	[timem:s3], [sflag:s2] =	dma.local @!p0 [hbm:s0], s1  }
0x46: {  	s0 =	simm.s32 @!p0 $0x2  }
0x47: {  	_ =	swait.ge @!p0 [sflag:s0], s1  }
0x48: {  	s1 =	ssub.s32 @!p0 $0x0, s1;
	[sflag:s0] =	ssyncset.done @!p0 $0x0  }
0x49: {  	[sflag:s0] =	ssyncadd.s32 @!p0 s1  }
0x4a: {  	[bflag:$0x3] =	sbarrier.arrive $0xFFFF  }
0x4b: {  	_ =	shalt  }

// kernel: kernel.18.cloned.1.call-start
scs
__scs_entry_jumppad:
0x0: {  	(pc) =	sbr.rel $0x88, $3  }
0x1: {  	(tag) =	ssettag $0x0;
	lr =	simm.s32 $0x1  }
0x2: {  	[smem:$0x3F9B] =	sst lr;
	_ =	strace $0xD0000000  }
0x3: {  	_ = 	snop  }
0x4: {  	_ = 	snop  }
0x5: {  	_ = 	snop  }
0x6: {  	_ = 	snop  }
0x7: {  	_ = 	snop  }
__scs_overlays_trampoline_lowered:
0x8: {  	[smem:$0x3FAA] =	sst s0  }
0x9: {  	[smem:$0x3FAB] =	sst s1  }
0xa: {  	[smem:$0x3FAC] =	sst s2  }
0xb: {  	[smem:$0x3FAD] =	sst s3  }
0xc: {  	[smem:$0x3FAE] =	sst s4  }
0xd: {  	[smem:$0x3FAF] =	sst s5  }
0xe: {  	[smem:$0x3FB0] =	sst s6  }
0xf: {  	[smem:$0x3FB1] =	sst s7  }
0x10: {  	[smem:$0x3FB2] =	sst s8  }
0x11: {  	[smem:$0x3FB3] =	sst s9;
	s0 =	simm.s32 @!p0 $0x0  }
0x12: {  	s1 =	sld [smem:$0x3F99];
	s0 =	simm.s32 @p0 $0x1  }
0x13: {  	[smem:$0x3FB4] =	sst s0;
	s0 =	simm.s32 @!p1 $0x0  }
0x14: {  	s2 =	sld [smem:$0x3F98];
	s0 =	simm.s32 @p1 $0x1  }
0x15: {  	[smem:$0x3FB5] =	sst s0;
	s0 =	simm.s32 @!p2 $0x0  }
0x16: {  	s3 =	sld [smem:$0x3FDB];
	s0 =	simm.s32 @p2 $0x1  }
0x17: {  	s4 =	simm.s32 $0x1BF5;
	[smem:$0x3FB7] =	sst s0  }
0x18: {  	s0 =	sld [smem:$0x3F9A];
	_ =	swait.ge [sflag:s4], $0x0  }
0x19: {  	s7 =	sld [smem:$0x3F9B]  }
0x1a: {  	s8 =	sadd.s32 $0xFFFFE003, lr  }
0x1b: {  	s9 =	sadd.s32 $0xFFFFFEF7, lr;
	s5 =	simm.s32 $0xFFFFFFFF;
	p2 =	slt.u32 s8, $0xFFFFF086  }
0x1c: {  	p1 =	slt.u32 s9, $0xF7A;
	s5 =	simm.s32 @!p2 $0x0  }
0x1d: {  	s5 =	simm.s32 @p1 $0x1;
	p0 =	seq.s32 s7, s2  }
0x1e: {  	s7 =	smul.u32 @!p0 $0xF7A, s2;
	p2 =	seq.s32 @!p0 s5, $0x0  }
0x1f: {  	s9 =	smul.u32 $0xF7A, s1;
	s8 =	simm.s32 @!p0 $0x1BF5;
	p2 =	por !p2, p0  }
0x20: {  	[sflag:s8] =	ssyncset.s32 @!p0 $0xFFFFF086;
	s6 =	sadd.s32 @!p0 s3, s7;
	s7 =	simm.s32 @!p0 $0x108  }
0x21: {  	s3 =	sadd.s32 s3, s9;
	s6 =	sadd.s32 @!p0 $0x88, s6;
	s7 =	simm.s32 @p2 $0x1082  }
0x22: {  	[simem:s7], [sflag:s8] =	dma.local @!p0 [hbm:s6], $0xF7A  }
0x23: {  	s9 =	sor.u32 $0xD0000000, s2;
	s6 =	simm.s32 $0x108;
	_ =	swait.ge @!p0 [sflag:s8], $0x0  }
0x24: {  	s3 =	sadd.s32 $0x88, s3;
	s6 =	simm.s32 @!p1 $0x1082;
	[sflag:s4] =	ssyncset.s32 $0xFFFFF086  }
0x25: {  	[simem:s6], [sflag:s4] =	dma.local [hbm:s3], $0xF7A  }
0x26: {  	[smem:$0x3F9B] =	sst s1;
	(tag) =	ssettag s2;
	_ =	strace s9  }
0x27: {  	s1 =	sld [smem:$0x3FAB]  }
0x28: {  	s2 =	sld [smem:$0x3FAC]  }
0x29: {  	s4 =	sld [smem:$0x3FAE]  }
0x2a: {  	p0 =	seq.s32 s5, $0x0;
	s5 =	sld [smem:$0x3FAF]  }
0x2b: {  	s6 =	sld [smem:$0x3FB0]  }
0x2c: {  	s7 =	sld [smem:$0x3FB1]  }
0x2d: {  	s3 =	simm.s32 $0x108;
	s8 =	sld [smem:$0x3FB2]  }
0x2e: {  	s3 =	simm.s32 @!p0 $0x1082;
	s9 =	sld [smem:$0x3FB3]  }
0x2f: {  	lr =	sadd.s32 s0, s3;
	s0 =	sld [smem:$0x3FAA]  }
0x30: {  	s3 =	sld [smem:$0x3FAD]  }
0x31: {  	[smem:$0x3FB6] =	sst s10  }
0x32: {  	s10 =	sld [smem:$0x3FB4];
	_ =	sdelay $0x3  }
0x33: {  	p0 =	seq.s32 s10, $0x1;
	s10 =	sld [smem:$0x3FB6];
	_ =	sdelay $0x3  }
0x34: {  	[smem:$0x3FB6] =	sst s10  }
0x35: {  	s10 =	sld [smem:$0x3FB5];
	_ =	sdelay $0x3  }
0x36: {  	p1 =	seq.s32 s10, $0x1;
	s10 =	sld [smem:$0x3FB6];
	_ =	sdelay $0x3  }
0x37: {  	[smem:$0x3FB6] =	sst s10  }
0x38: {  	s10 =	sld [smem:$0x3FB7]  }
0x39: {  	_ = 	snop;
	(pc) =	sbr.ind lr, $3  }
0x3a: {  	_ = 	snop  }
0x3b: {  	_ = 	snop  }
0x3c: {  	p2 =	seq.s32 s10, $0x1;
	s10 =	sld [smem:$0x3FB6]  }
0x3d: {  	_ =	shalt  }
0x3e: {  	_ =	shalt  }
0x3f: {  	_ =	shalt  }
0x40: {  	_ =	shalt  }
0x41: {  	_ =	shalt  }
0x42: {  	_ =	shalt  }
0x43: {  	_ =	shalt  }
0x44: {  	_ =	shalt  }
0x45: {  	_ =	shalt  }
0x46: {  	_ =	shalt  }
0x47: {  	_ =	shalt  }
0x48: {  	_ =	shalt  }
0x49: {  	_ =	shalt  }
0x4a: {  	_ =	shalt  }
0x4b: {  	_ =	shalt  }
0x4c: {  	_ =	shalt  }
0x4d: {  	_ =	shalt  }
0x4e: {  	_ =	shalt  }
0x4f: {  	_ =	shalt  }
0x50: {  	_ =	shalt  }
0x51: {  	_ =	shalt  }
0x52: {  	_ =	shalt  }
0x53: {  	_ =	shalt  }
0x54: {  	_ =	shalt  }
0x55: {  	_ =	shalt  }
0x56: {  	_ =	shalt  }
0x57: {  	_ =	shalt  }
0x58: {  	_ =	shalt  }
0x59: {  	_ =	shalt  }
0x5a: {  	_ =	shalt  }
0x5b: {  	_ =	shalt  }
0x5c: {  	_ =	shalt  }
0x5d: {  	_ =	shalt  }
0x5e: {  	_ =	shalt  }
0x5f: {  	_ =	shalt  }
0x60: {  	_ =	shalt  }
0x61: {  	_ =	shalt  }
0x62: {  	_ =	shalt  }
0x63: {  	_ =	shalt  }
0x64: {  	_ =	shalt  }
0x65: {  	_ =	shalt  }
0x66: {  	_ =	shalt  }
0x67: {  	_ =	shalt  }
0x68: {  	_ =	shalt  }
0x69: {  	_ =	shalt  }
0x6a: {  	_ =	shalt  }
0x6b: {  	_ =	shalt  }
0x6c: {  	_ =	shalt  }
0x6d: {  	_ =	shalt  }
0x6e: {  	_ =	shalt  }
0x6f: {  	_ =	shalt  }
0x70: {  	_ =	shalt  }
0x71: {  	_ =	shalt  }
0x72: {  	_ =	shalt  }
0x73: {  	_ =	shalt  }
0x74: {  	_ =	shalt  }
0x75: {  	_ =	shalt  }
0x76: {  	_ =	shalt  }
0x77: {  	_ =	shalt  }
0x78: {  	_ =	shalt  }
0x79: {  	_ =	shalt  }
0x7a: {  	_ =	shalt  }
0x7b: {  	_ =	shalt  }
0x7c: {  	_ =	shalt  }
0x7d: {  	_ =	shalt  }
0x7e: {  	_ =	shalt  }
0x7f: {  	_ =	shalt  }
0x80: {  	_ =	shalt  }
0x81: {  	_ =	shalt  }
0x82: {  	_ =	shalt  }
0x83: {  	_ =	shalt  }
0x84: {  	_ =	shalt  }
0x85: {  	_ =	shalt  }
0x86: {  	_ =	shalt  }
0x87: {  	_ =	shalt  }
.Lfunc_end0:
.L_simem_size_0:
called_computation.3_lowered:
.L_overlay_start_0:
0x88: {  	s2 =	sld [smem:$0x3FD9]  }
0x89: {  	s3 =	sld [smem:$0x3FFE];
	_ =	sdelay $0x1  }
0x8a: {  	s1 =	srdreg.scid  }
0x8b: {  	s0 =	sand.u32 $0x1, s1  }
0x8c: {  	s17 =	sshll.u32 s0, $0xA;
	s2 =	sadd.s32 s3, s2  }
0x8d: {  	s2 =	sadd.s32 s2, s17  }
0x8e: {  	[smem:$0x3FC2] =	sst s2  }
0x8f: {  	_ = 	snop  }
0x90: {  	s2 =	sld [smem:$0x3FD0];
	(tm) =	ssettm $0x1  }
0x91: {  	s18 =	sld [smem:$0x3FFB];
	_ =	sdelay $0x3  }
0x92: {  	_ =	strace s18  }
0x93: {  	s3 =	sld [smem:$0x3FFC];
	_ =	sdelay $0x3  }
0x94: {  	_ =	strace s3  }
0x95: {  	s3 =	sld [smem:$0x3FFD];
	_ =	sdelay $0x3  }
0x96: {  	_ =	strace s3  }
0x97: {  	_ =	strace $0x8FFFFFFF  }
0x98: {  	s19 =	sld [smem:$0x3FDB];
	_ =	sdelay $0x1  }
0x99: {  	s4 =	simm.s32 $_scs_section_size  }
0x9a: {  	s5 =	simm.s32 $_size__tile_overlayer_lowered;
	s6 =	simm.s32 $_tile_overlayer_lowered  }
0x9b: {  	s22 =	simm.s32 $0x1BFF;
	s21 =	sshll.u32 s6, $0x1;
	s3 =	sadd.s32 s4, s19  }
0x9c: {  	s7 =	simm.s32 $0x0;
	s20 =	sshll.u32 s5, $0x1;
	s5 =	sadd.s32 s21, s3  }
0x9d: {  	[timem:s7], [sflag:s22] =	dma.local [hbm:s5], s20  }
0x9e: {  	_ =	swait.ge [sflag:s22], s20  }
0x9f: {  	s4 =	ssub.s32 $0x0, s20;
	[sflag:s22] =	ssyncset.done $0x0  }
0xa0: {  	[sflag:s22] =	ssyncadd.s32 s4;
	_ =	sdelay $0x1  }
0xa1: {  	s23 =	simm.s32 $0x1B8B  }
0xa2: {  	_ =	swait.ge [sflag:s23], $0x1  }
0xa3: {  	[sflag:s23] =	ssyncset.done $0x0  }
0xa4: {  	s25 =	simm.s32 $0x1B8E;
	s24 =	sld [smem:$0x3FFE];
	[sflag:s23] =	ssyncadd.s32 $0xFFFFFFFF  }
0xa5: {  	s26 =	simm.s32 $execute0_lowered;
	[smem:$0x3FD2] =	sst s25  }
0xa6: {  	s5 =	sshll.u32 s26, $0x1;
	_ =	strace $0x8000004F;
	[dreg:$0x1] =	wrdreg $0xFFFFFFFF  }
0xa7: {  	s28 =	simm.s32 $_size_execute0_lowered;
	s3 =	sadd.s32 s3, s5;
	[dreg:$0x0] =	wrdreg $0x0  }
0xa8: {  	s5 =	sshll.u32 s28, $0x1;
	[dreg:$0x2] =	wrdreg s3  }
0xa9: {  	[dreg:$0x3] =	wrdreg s5  }
0xaa: {  	[dreg:$0x4] =	wrdreg $0xC0  }
0xab: {  	_ =	task [dreg:s7], $0x5FFFF  }
0xac: {  	[dreg:$0x1] =	wrdreg $0xFFFFFFFF  }
0xad: {  	[dreg:$0x0] =	wrdreg $0x60  }
0xae: {  	[dreg:$0x2] =	wrdreg s2  }
0xaf: {  	[dreg:$0x3] =	wrdreg s24  }
0xb0: {  	[dreg:$0x4] =	wrdreg $0xA8000  }
0xb1: {  	[dreg:$0x5] =	wrdreg $0x9  }
0xb2: {  	_ =	task.clear_ibuf [dreg:s7], $0x6FFFF;
	_ =	strace $0x9000004F  }
0xb3: {  	s29 =	simm.s32 $0x9;
	_ =	strace $0x80000051  }
0xb4: {  	_ =	swait.ge [sflag:s29], $0x1  }
0xb5: {  	[sflag:s29] =	ssyncadd.s32 $0xFFFFFFFF  }
0xb6: {  	_ =	strace $0x90000051  }
0xb7: {  	_ =	sfence  }
0xb8: {  	s30 =	sld [smem:$0x0];
	_ =	sdelay $0x2  }
0xb9: {  	s31 =	sshll.u32 s1, $0xD;
	s1 =	sshrl.u32 s1, $0x2  }
0xba: {  	s3 =	sand.u32 $0x4000, s31;
	s1 =	sadd.s32 s1, s30  }
0xbb: {  	s0 =	sor.u32 s3, s0;
	s1 =	sshll.u32 s1, $0x11  }
0xbc: {  	s0 =	sor.u32 s1, s0  }
0xbd: {  	s0 =	sadd.s32 $0x8F2B, s0  }
0xbe: {  	[sflag:s0] =	ssyncadd.remote.s32 $0x1  }
0xbf: {  	_ =	sfence.sel $0xFFFF  }
0xc0: {  	[dreg:$0x0] =	wrdreg $0xFFFFFFFF;
	(pc) =	sbr.abs _section_cstart, $3  }
0xc1: {  	[dreg:$0x1] =	wrdreg $0xFFFFFFFF  }
0xc2: {  	_ =	task.clear_ibuf [dreg:s7], $0x2FFFF;
	_ =	strace $0x9FFFFFFF  }
0xc3: {  	(tm) =	ssettm $0x7FFFFFFF  }
tec
execute0_lowered:
.L_overlay_start_1:
0x0: {  	(tag) =	ssettag $0x1  }
0x1: {  	s1 =	rddreg [dreg:$0x0]  }
0x2: {  	s5 =	rddreg [dreg:$0x1]  }
0x3: {  	s3 =	rddreg [dreg:$0x2]  }
0x4: {  	s0 =	rddreg [dreg:$0x3];
	s6 =	srdreg.scid  }
0x5: {  	s4 =	simm.s32 $0x0;
	s2 =	stileid.u32;
	s14 =	simm.s32 $0x50  }
0x6: {  	s15 =	simm.s32 $0x8000;
	s16 =	simm.s32 $0x1;
	s17 =	simm.s32 $0x0  }
0x7: {  	s6 =	sand.u32 $0x1, s6;
	s8 =	sshll.u32 s2, $0xB;
	s9 =	smul.u32 $0x14000, s2  }
0x8: {  	[smem:$0x7FF] =	sst s4;
	s29 =	smul.u32 $0x50000, s2;
	s31 =	sshll.u32 s2, $0x6  }
0x9: {  	s7 =	sshll.u32 s6, $0xF;
	s26 =	smul.u32 $0x140000, s6;
	_ =	strace $0x80000050  }
0xa: {  	s6 =	ssub.s32 $0x2, s6;
	s7 =	sor.u32 s8, s7;
	s28 =	sshrl.u32 s9, $0x3  }
0xb: {  	s11 =	sshrl.u32 s6, $0x1;
	s30 =	sshrl.u32 s29, $0x2;
	s10 =	sadd.s32 s7, s5  }
0xc: {  	s8 =	sadd.s32 s9, s26;
	s7 =	sadd.s32 s28, s5;
	s11 =	ssub.s32 s6, s11  }
0xd: {  	s13 =	sadd.s32 s30, s3;
	s6 =	sor.u32 $0x1C02, s31;
	s8 =	sshrl.u32 s8, $0x3  }
0xe: {  	s12 =	sadd.s32 s8, s5;
	s5 =	sadd.s32 $0x22000, s7;
	s7 =	sadd.s32 $0x12000, s10  }
0xf: {  	s8 =	sadd.s32 $0x2000, s10;
	s10 =	smax.u32 s11, $0x1;
	s11 =	sshrl.u32 s13, $0x3  }
0x10: {  	s13 =	simm.s32 $0x4000;
	s9 =	sadd.s32 $0x9A000, s12;
	s12 =	simm.s32 $0x2  }
.LBB2_1:
0x11: {  	[spmem:s11], [sflag:s6] =	dma.local [hbm:s5], $0x2800  }
0x12: {  	_ =	swait.ge [sflag:s12], $0x2800  }
0x13: {  	[sflag:s12] =	ssyncset.done $0x0  }
0x14: {  	[sflag:s12] =	ssyncadd.s32 $0xFFFFD800  }
0x15: {  	[tilespmem:s4], [sflag:$0x2] =	stream.linear.gather [hbm4b:s7+s4], $0x3E80, $0x38;
	[tilespmem:$0x1E800] =	vst v63  }
0x16: {  	_ =	swait.ge [sflag:s12], $0x3E80  }
0x17: {  	[sflag:s12] =	ssyncset.done $0x0  }
0x18: {  	[sflag:s12] =	ssyncadd.s32 $0xFFFFC180  }
0x19: {  	[tilespmem:s13], [sflag:$0x2] =	stream.linear.gather [hbm4b:s8+s4], $0x3E80, $0x38;
	[tilespmem:$0x1E800] =	vst v63  }
0x1a: {  	_ =	swait.ge [sflag:s12], $0x3E80  }
0x1b: {  	[sflag:s12] =	ssyncset.done $0x0  }
0x1c: {  	[sflag:s12] =	ssyncadd.s32 $0xFFFFC180  }
0x1d: {  	s18 =	simm.s32 $0x0;
	[bflag:$0x0] =	sbarrier.arrive $0xFFFF  }
0x1e: {  	[tilespmem:s15], [sflag:$0x1] =	stream.indirect.gather [hbm4b:s1+s14], $0x80, s18, s14, $0xb8;
	[tilespmem:$0x1E800] =	vst v63  }
0x1f: {  	_ =	swait.ge [sflag:s16], $0x2800  }
0x20: {  	[sflag:s16] =	ssyncset.done $0x0  }
0x21: {  	s31 =	simm.s32 $0x4000;
	[sflag:s16] =	ssyncadd.s32 $0xFFFFD800  }
0x22: {  	[spmem:s3] =	stream.indirect.scatter.add.f32 [tilespmem:s15], [sflag:$0x2], $0x80, s31, s14, $0xb8;
	[tilespmem:$0x1E800] =	vst v63  }
0x23: {  	_ =	swait.ge [sflag:s12], $0x2800  }
0x24: {  	s19 =	simm.s32 $0x400;
	s18 =	simm.s32 $0x200;
	[sflag:s12] =	ssyncset.done $0x0  }
.LBB2_2:
0x25: {  	s20 =	sshra.s32 s18, $0x2  }
0x26: {  	[sflag:s12] =	ssyncadd.s32 $0xFFFFD800;
	s18 =	smov.u32 s19;
	s21 =	sadd.s32 $0x200, s19  }
0x27: {  	[tilespmem:s15], [sflag:$0x1] =	stream.indirect.gather [hbm4b:s1+s14], $0x80, s20, s14, $0xb8;
	[tilespmem:$0x1E800] =	vst v63  }
0x28: {  	p0 =	sne.s32 s19, $0xF800;
	_ =	swait.ge [sflag:s16], $0x2800  }
.Ltmp0:
0x29: {  	[sflag:s16] =	ssyncset.done $0x0;
	(pc) =	sbr.rel @p0 .LBB2_2-.Ltmp0, $4  }
0x2a: {  	s19 =	sadd.s32 $0x4000, s20;
	[sflag:s16] =	ssyncadd.s32 $0xFFFFD800  }
0x2b: {  	[spmem:s3] =	stream.indirect.scatter.add.f32 [tilespmem:s15], [sflag:$0x2], $0x80, s19, s14, $0xb8;
	[tilespmem:$0x1E800] =	vst v63  }
0x2c: {  	_ =	swait.ge [sflag:s12], $0x2800  }
0x2d: {  	s19 =	smov.u32 s21;
	[sflag:s12] =	ssyncset.done $0x0  }
0x2e: {  	s18 =	sshra.s32 s18, $0x2;
	[sflag:s12] =	ssyncadd.s32 $0xFFFFD800  }
0x2f: {  	[tilespmem:s15], [sflag:$0x1] =	stream.indirect.gather [hbm4b:s1+s14], $0x80, s18, s14, $0xb8;
	[tilespmem:$0x1E800] =	vst v63  }
0x30: {  	_ =	swait.ge [sflag:s16], $0x2800  }
0x31: {  	[sflag:s16] =	ssyncset.done $0x0  }
0x32: {  	s18 =	sadd.s32 $0x4000, s18;
	[sflag:s16] =	ssyncadd.s32 $0xFFFFD800  }
0x33: {  	[spmem:s3] =	stream.indirect.scatter.add.f32 [tilespmem:s15], [sflag:$0x2], $0x80, s18, s14, $0xb8;
	[tilespmem:$0x1E800] =	vst v63  }
0x34: {  	_ =	swait.ge [sflag:s12], $0x2800  }
0x35: {  	s17 =	sadd.s32 $0x1, s17;
	[sflag:s12] =	ssyncset.done $0x0  }
0x36: {  	p0 =	sne.s32 s17, s10;
	[sflag:s12] =	ssyncadd.s32 $0xFFFFD800  }
.Ltmp1:
0x37: {  	[bflag:$0x0] =	sbarrier.arrive $0xFFFF;
	(pc) =	sbr.rel @p0 .LBB2_1-.Ltmp1, $4  }
0x38: {  	[hbm:s9], [sflag:s6] =	dma.local [spmem:s11], $0x2800  }
0x39: {  	_ =	swait.ge [sflag:s12], $0x2800  }
0x3a: {  	[sflag:s12] =	ssyncset.done $0x0  }
0x3b: {  	[sflag:s12] =	ssyncadd.s32 $0xFFFFD800  }
0x3c: {  	_ =	sfence.sel $0x180000  }
0x3d: {  	[bflag:$0x0] =	sbarrier.arrive $0xFFFF  }
0x3e: {  	p0 =	sne.s32 s2, $0x0;
	_ =	strace $0x90000050  }
0x3f: {  	s0 =	sadd.s32 @!p0 $0x100000, s0;
	[bflag:$0x2] =	sbarrier.arrive $0xFFFF  }
0x40: {  	[sflag:s0] =	ssyncadd.tile.s32 @!p0 $0x1;
	_ =	shalt  }
.Lfunc_end2:
_tile_overlayer_lowered:
.L_overlay_start_2:
0x41: {  	(tag) =	ssettag $0x2  }
0x42: {  	s0 =	rddreg [dreg:$0x0];
	s2 =	stileid.u32  }
0x43: {  	s1 =	rddreg [dreg:$0x1];
	p0 =	sne.s32 s2, $0x0  }
0x44: {  	s3 =	rddreg [dreg:$0x2];
	[bflag:$0x3] =	sbarrier.arrive $0xFFFF;
	s2 =	simm.s32 @!p0 $0x1C02  }
0x45: {  	[timem:s3], [sflag:s2] =	dma.local @!p0 [hbm:s0], s1  }
0x46: {  	s0 =	simm.s32 @!p0 $0x2  }
0x47: {  	_ =	swait.ge @!p0 [sflag:s0], s1  }
0x48: {  	s1 =	ssub.s32 @!p0 $0x0, s1;
	[sflag:s0] =	ssyncset.done @!p0 $0x0  }
0x49: {  	[sflag:s0] =	ssyncadd.s32 @!p0 s1  }
0x4a: {  	[bflag:$0x3] =	sbarrier.arrive $0xFFFF  }
0x4b: {  	_ =	shalt  }

// kernel: kernel.9.cloned.1.call-start
scs
__scs_entry_jumppad:
0x0: {  	(pc) =	sbr.rel $0x88, $3  }
0x1: {  	(tag) =	ssettag $0x0;
	lr =	simm.s32 $0x1  }
0x2: {  	[smem:$0x3F9B] =	sst lr;
	_ =	strace $0xD0000000  }
0x3: {  	_ = 	snop  }
0x4: {  	_ = 	snop  }
0x5: {  	_ = 	snop  }
0x6: {  	_ = 	snop  }
0x7: {  	_ = 	snop  }
__scs_overlays_trampoline_lowered:
0x8: {  	[smem:$0x3FAA] =	sst s0  }
0x9: {  	[smem:$0x3FAB] =	sst s1  }
0xa: {  	[smem:$0x3FAC] =	sst s2  }
0xb: {  	[smem:$0x3FAD] =	sst s3  }
0xc: {  	[smem:$0x3FAE] =	sst s4  }
0xd: {  	[smem:$0x3FAF] =	sst s5  }
0xe: {  	[smem:$0x3FB0] =	sst s6  }
0xf: {  	[smem:$0x3FB1] =	sst s7  }
0x10: {  	[smem:$0x3FB2] =	sst s8  }
0x11: {  	[smem:$0x3FB3] =	sst s9;
	s0 =	simm.s32 @!p0 $0x0  }
0x12: {  	s1 =	sld [smem:$0x3F99];
	s0 =	simm.s32 @p0 $0x1  }
0x13: {  	[smem:$0x3FB4] =	sst s0;
	s0 =	simm.s32 @!p1 $0x0  }
0x14: {  	s2 =	sld [smem:$0x3F98];
	s0 =	simm.s32 @p1 $0x1  }
0x15: {  	[smem:$0x3FB5] =	sst s0;
	s0 =	simm.s32 @!p2 $0x0  }
0x16: {  	s3 =	sld [smem:$0x3FDB];
	s0 =	simm.s32 @p2 $0x1  }
0x17: {  	s4 =	simm.s32 $0x1BF5;
	[smem:$0x3FB7] =	sst s0  }
0x18: {  	s0 =	sld [smem:$0x3F9A];
	_ =	swait.ge [sflag:s4], $0x0  }
0x19: {  	s7 =	sld [smem:$0x3F9B]  }
0x1a: {  	s8 =	sadd.s32 $0xFFFFE003, lr  }
0x1b: {  	s9 =	sadd.s32 $0xFFFFFEF7, lr;
	s5 =	simm.s32 $0xFFFFFFFF;
	p2 =	slt.u32 s8, $0xFFFFF086  }
0x1c: {  	p1 =	slt.u32 s9, $0xF7A;
	s5 =	simm.s32 @!p2 $0x0  }
0x1d: {  	s5 =	simm.s32 @p1 $0x1;
	p0 =	seq.s32 s7, s2  }
0x1e: {  	s7 =	smul.u32 @!p0 $0xF7A, s2;
	p2 =	seq.s32 @!p0 s5, $0x0  }
0x1f: {  	s9 =	smul.u32 $0xF7A, s1;
	s8 =	simm.s32 @!p0 $0x1BF5;
	p2 =	por !p2, p0  }
0x20: {  	[sflag:s8] =	ssyncset.s32 @!p0 $0xFFFFF086;
	s6 =	sadd.s32 @!p0 s3, s7;
	s7 =	simm.s32 @!p0 $0x108  }
0x21: {  	s3 =	sadd.s32 s3, s9;
	s6 =	sadd.s32 @!p0 $0x88, s6;
	s7 =	simm.s32 @p2 $0x1082  }
0x22: {  	[simem:s7], [sflag:s8] =	dma.local @!p0 [hbm:s6], $0xF7A  }
0x23: {  	s9 =	sor.u32 $0xD0000000, s2;
	s6 =	simm.s32 $0x108;
	_ =	swait.ge @!p0 [sflag:s8], $0x0  }
0x24: {  	s3 =	sadd.s32 $0x88, s3;
	s6 =	simm.s32 @!p1 $0x1082;
	[sflag:s4] =	ssyncset.s32 $0xFFFFF086  }
0x25: {  	[simem:s6], [sflag:s4] =	dma.local [hbm:s3], $0xF7A  }
0x26: {  	[smem:$0x3F9B] =	sst s1;
	(tag) =	ssettag s2;
	_ =	strace s9  }
0x27: {  	s1 =	sld [smem:$0x3FAB]  }
0x28: {  	s2 =	sld [smem:$0x3FAC]  }
0x29: {  	s4 =	sld [smem:$0x3FAE]  }
0x2a: {  	p0 =	seq.s32 s5, $0x0;
	s5 =	sld [smem:$0x3FAF]  }
0x2b: {  	s6 =	sld [smem:$0x3FB0]  }
0x2c: {  	s7 =	sld [smem:$0x3FB1]  }
0x2d: {  	s3 =	simm.s32 $0x108;
	s8 =	sld [smem:$0x3FB2]  }
0x2e: {  	s3 =	simm.s32 @!p0 $0x1082;
	s9 =	sld [smem:$0x3FB3]  }
0x2f: {  	lr =	sadd.s32 s0, s3;
	s0 =	sld [smem:$0x3FAA]  }
0x30: {  	s3 =	sld [smem:$0x3FAD]  }
0x31: {  	[smem:$0x3FB6] =	sst s10  }
0x32: {  	s10 =	sld [smem:$0x3FB4];
	_ =	sdelay $0x3  }
0x33: {  	p0 =	seq.s32 s10, $0x1;
	s10 =	sld [smem:$0x3FB6];
	_ =	sdelay $0x3  }
0x34: {  	[smem:$0x3FB6] =	sst s10  }
0x35: {  	s10 =	sld [smem:$0x3FB5];
	_ =	sdelay $0x3  }
0x36: {  	p1 =	seq.s32 s10, $0x1;
	s10 =	sld [smem:$0x3FB6];
	_ =	sdelay $0x3  }
0x37: {  	[smem:$0x3FB6] =	sst s10  }
0x38: {  	s10 =	sld [smem:$0x3FB7]  }
0x39: {  	_ = 	snop;
	(pc) =	sbr.ind lr, $3  }
0x3a: {  	_ = 	snop  }
0x3b: {  	_ = 	snop  }
0x3c: {  	p2 =	seq.s32 s10, $0x1;
	s10 =	sld [smem:$0x3FB6]  }
0x3d: {  	_ =	shalt  }
0x3e: {  	_ =	shalt  }
0x3f: {  	_ =	shalt  }
0x40: {  	_ =	shalt  }
0x41: {  	_ =	shalt  }
0x42: {  	_ =	shalt  }
0x43: {  	_ =	shalt  }
0x44: {  	_ =	shalt  }
0x45: {  	_ =	shalt  }
0x46: {  	_ =	shalt  }
0x47: {  	_ =	shalt  }
0x48: {  	_ =	shalt  }
0x49: {  	_ =	shalt  }
0x4a: {  	_ =	shalt  }
0x4b: {  	_ =	shalt  }
0x4c: {  	_ =	shalt  }
0x4d: {  	_ =	shalt  }
0x4e: {  	_ =	shalt  }
0x4f: {  	_ =	shalt  }
0x50: {  	_ =	shalt  }
0x51: {  	_ =	shalt  }
0x52: {  	_ =	shalt  }
0x53: {  	_ =	shalt  }
0x54: {  	_ =	shalt  }
0x55: {  	_ =	shalt  }
0x56: {  	_ =	shalt  }
0x57: {  	_ =	shalt  }
0x58: {  	_ =	shalt  }
0x59: {  	_ =	shalt  }
0x5a: {  	_ =	shalt  }
0x5b: {  	_ =	shalt  }
0x5c: {  	_ =	shalt  }
0x5d: {  	_ =	shalt  }
0x5e: {  	_ =	shalt  }
0x5f: {  	_ =	shalt  }
0x60: {  	_ =	shalt  }
0x61: {  	_ =	shalt  }
0x62: {  	_ =	shalt  }
0x63: {  	_ =	shalt  }
0x64: {  	_ =	shalt  }
0x65: {  	_ =	shalt  }
0x66: {  	_ =	shalt  }
0x67: {  	_ =	shalt  }
0x68: {  	_ =	shalt  }
0x69: {  	_ =	shalt  }
0x6a: {  	_ =	shalt  }
0x6b: {  	_ =	shalt  }
0x6c: {  	_ =	shalt  }
0x6d: {  	_ =	shalt  }
0x6e: {  	_ =	shalt  }
0x6f: {  	_ =	shalt  }
0x70: {  	_ =	shalt  }
0x71: {  	_ =	shalt  }
0x72: {  	_ =	shalt  }
0x73: {  	_ =	shalt  }
0x74: {  	_ =	shalt  }
0x75: {  	_ =	shalt  }
0x76: {  	_ =	shalt  }
0x77: {  	_ =	shalt  }
0x78: {  	_ =	shalt  }
0x79: {  	_ =	shalt  }
0x7a: {  	_ =	shalt  }
0x7b: {  	_ =	shalt  }
0x7c: {  	_ =	shalt  }
0x7d: {  	_ =	shalt  }
0x7e: {  	_ =	shalt  }
0x7f: {  	_ =	shalt  }
0x80: {  	_ =	shalt  }
0x81: {  	_ =	shalt  }
0x82: {  	_ =	shalt  }
0x83: {  	_ =	shalt  }
0x84: {  	_ =	shalt  }
0x85: {  	_ =	shalt  }
0x86: {  	_ =	shalt  }
0x87: {  	_ =	shalt  }
.Lfunc_end0:
.L_simem_size_0:
called_computation_lowered:
.L_overlay_start_0:
0x88: {  	s2 =	sld [smem:$0x3FD9]  }
0x89: {  	s3 =	sld [smem:$0x3FFE];
	_ =	sdelay $0x1  }
0x8a: {  	s1 =	srdreg.scid  }
0x8b: {  	s0 =	sand.u32 $0x1, s1  }
0x8c: {  	s17 =	sshll.u32 s0, $0xA;
	s2 =	sadd.s32 s3, s2  }
0x8d: {  	s2 =	sadd.s32 s2, s17  }
0x8e: {  	[smem:$0x3FC2] =	sst s2  }
0x8f: {  	_ = 	snop  }
0x90: {  	s2 =	sld [smem:$0x3FD0];
	(tm) =	ssettm $0x1  }
0x91: {  	s18 =	sld [smem:$0x3FFB];
	_ =	sdelay $0x3  }
0x92: {  	_ =	strace s18  }
0x93: {  	s3 =	sld [smem:$0x3FFC];
	_ =	sdelay $0x3  }
0x94: {  	_ =	strace s3  }
0x95: {  	s3 =	sld [smem:$0x3FFD];
	_ =	sdelay $0x3  }
0x96: {  	_ =	strace s3  }
0x97: {  	_ =	strace $0x8FFFFFFF  }
0x98: {  	s19 =	sld [smem:$0x3FDB];
	_ =	sdelay $0x1  }
0x99: {  	s4 =	simm.s32 $_scs_section_size  }
0x9a: {  	s5 =	simm.s32 $_size__tile_overlayer_lowered;
	s6 =	simm.s32 $_tile_overlayer_lowered  }
0x9b: {  	s22 =	simm.s32 $0x1BFF;
	s21 =	sshll.u32 s6, $0x1;
	s3 =	sadd.s32 s4, s19  }
0x9c: {  	s7 =	simm.s32 $0x0;
	s20 =	sshll.u32 s5, $0x1;
	s5 =	sadd.s32 s21, s3  }
0x9d: {  	[timem:s7], [sflag:s22] =	dma.local [hbm:s5], s20  }
0x9e: {  	_ =	swait.ge [sflag:s22], s20  }
0x9f: {  	s4 =	ssub.s32 $0x0, s20;
	[sflag:s22] =	ssyncset.done $0x0  }
0xa0: {  	[sflag:s22] =	ssyncadd.s32 s4;
	_ =	sdelay $0x1  }
0xa1: {  	s23 =	simm.s32 $0x1B8B  }
0xa2: {  	_ =	swait.ge [sflag:s23], $0x1  }
0xa3: {  	[sflag:s23] =	ssyncset.done $0x0  }
0xa4: {  	s25 =	simm.s32 $0x1B8E;
	s24 =	sld [smem:$0x3FFE];
	[sflag:s23] =	ssyncadd.s32 $0xFFFFFFFF  }
0xa5: {  	s26 =	simm.s32 $execute0_lowered;
	[smem:$0x3FD2] =	sst s25  }
0xa6: {  	s5 =	sshll.u32 s26, $0x1;
	_ =	strace $0x80000046;
	[dreg:$0x1] =	wrdreg $0xFFFFFFFF  }
0xa7: {  	s28 =	simm.s32 $_size_execute0_lowered;
	s3 =	sadd.s32 s3, s5;
	[dreg:$0x0] =	wrdreg $0x0  }
0xa8: {  	s5 =	sshll.u32 s28, $0x1;
	[dreg:$0x2] =	wrdreg s3  }
0xa9: {  	[dreg:$0x3] =	wrdreg s5  }
0xaa: {  	[dreg:$0x4] =	wrdreg $0xC0  }
0xab: {  	_ =	task [dreg:s7], $0x5FFFF  }
0xac: {  	[dreg:$0x1] =	wrdreg $0xFFFFFFFF  }
0xad: {  	[dreg:$0x0] =	wrdreg $0x60  }
0xae: {  	[dreg:$0x2] =	wrdreg s2  }
0xaf: {  	[dreg:$0x3] =	wrdreg s24  }
0xb0: {  	[dreg:$0x4] =	wrdreg $0xA8000  }
0xb1: {  	[dreg:$0x5] =	wrdreg $0x9  }
0xb2: {  	_ =	task.clear_ibuf [dreg:s7], $0x6FFFF;
	_ =	strace $0x90000046  }
0xb3: {  	s29 =	simm.s32 $0x9;
	_ =	strace $0x80000048  }
0xb4: {  	_ =	swait.ge [sflag:s29], $0x1  }
0xb5: {  	[sflag:s29] =	ssyncadd.s32 $0xFFFFFFFF  }
0xb6: {  	_ =	strace $0x90000048  }
0xb7: {  	_ =	sfence  }
0xb8: {  	s30 =	sld [smem:$0x0];
	_ =	sdelay $0x2  }
0xb9: {  	s31 =	sshll.u32 s1, $0xD;
	s1 =	sshrl.u32 s1, $0x2  }
0xba: {  	s3 =	sand.u32 $0x4000, s31;
	s1 =	sadd.s32 s1, s30  }
0xbb: {  	s0 =	sor.u32 s3, s0;
	s1 =	sshll.u32 s1, $0x11  }
0xbc: {  	s0 =	sor.u32 s1, s0  }
0xbd: {  	s0 =	sadd.s32 $0x8F2B, s0  }
0xbe: {  	[sflag:s0] =	ssyncadd.remote.s32 $0x1  }
0xbf: {  	_ =	sfence.sel $0xFFFF  }
0xc0: {  	[dreg:$0x0] =	wrdreg $0xFFFFFFFF;
	(pc) =	sbr.abs _section_cstart, $3  }
0xc1: {  	[dreg:$0x1] =	wrdreg $0xFFFFFFFF  }
0xc2: {  	_ =	task.clear_ibuf [dreg:s7], $0x2FFFF;
	_ =	strace $0x9FFFFFFF  }
0xc3: {  	(tm) =	ssettm $0x7FFFFFFF  }
tec
execute0_lowered:
.L_overlay_start_1:
0x0: {  	(tag) =	ssettag $0x1  }
0x1: {  	s1 =	rddreg [dreg:$0x0]  }
0x2: {  	s5 =	rddreg [dreg:$0x1]  }
0x3: {  	s3 =	rddreg [dreg:$0x2]  }
0x4: {  	s0 =	rddreg [dreg:$0x3];
	s6 =	srdreg.scid  }
0x5: {  	s4 =	simm.s32 $0x0;
	s2 =	stileid.u32;
	s14 =	simm.s32 $0x50  }
0x6: {  	s15 =	simm.s32 $0x8000;
	s16 =	simm.s32 $0x1;
	s17 =	simm.s32 $0x0  }
0x7: {  	s6 =	sand.u32 $0x1, s6;
	s8 =	sshll.u32 s2, $0xB;
	s9 =	smul.u32 $0x14000, s2  }
0x8: {  	[smem:$0x7FF] =	sst s4;
	s29 =	smul.u32 $0x50000, s2;
	s31 =	sshll.u32 s2, $0x6  }
0x9: {  	s7 =	sshll.u32 s6, $0xF;
	s26 =	smul.u32 $0x140000, s6;
	_ =	strace $0x80000047  }
0xa: {  	s6 =	ssub.s32 $0x2, s6;
	s7 =	sor.u32 s8, s7;
	s28 =	sshrl.u32 s9, $0x3  }
0xb: {  	s11 =	sshrl.u32 s6, $0x1;
	s30 =	sshrl.u32 s29, $0x2;
	s10 =	sadd.s32 s7, s5  }
0xc: {  	s8 =	sadd.s32 s9, s26;
	s7 =	sadd.s32 s28, s5;
	s11 =	ssub.s32 s6, s11  }
0xd: {  	s13 =	sadd.s32 s30, s3;
	s6 =	sor.u32 $0x1C02, s31;
	s8 =	sshrl.u32 s8, $0x3  }
0xe: {  	s12 =	sadd.s32 s8, s5;
	s5 =	sadd.s32 $0x22000, s7;
	s7 =	sadd.s32 $0x12000, s10  }
0xf: {  	s8 =	sadd.s32 $0x2000, s10;
	s10 =	smax.u32 s11, $0x1;
	s11 =	sshrl.u32 s13, $0x3  }
0x10: {  	s13 =	simm.s32 $0x4000;
	s9 =	sadd.s32 $0x4A000, s12;
	s12 =	simm.s32 $0x2  }
.LBB2_1:
0x11: {  	[spmem:s11], [sflag:s6] =	dma.local [hbm:s5], $0x2800  }
0x12: {  	_ =	swait.ge [sflag:s12], $0x2800  }
0x13: {  	[sflag:s12] =	ssyncset.done $0x0  }
0x14: {  	[sflag:s12] =	ssyncadd.s32 $0xFFFFD800  }
0x15: {  	[tilespmem:s4], [sflag:$0x2] =	stream.linear.gather [hbm4b:s7+s4], $0x3E80, $0x38;
	[tilespmem:$0x1E800] =	vst v63  }
0x16: {  	_ =	swait.ge [sflag:s12], $0x3E80  }
0x17: {  	[sflag:s12] =	ssyncset.done $0x0  }
0x18: {  	[sflag:s12] =	ssyncadd.s32 $0xFFFFC180  }
0x19: {  	[tilespmem:s13], [sflag:$0x2] =	stream.linear.gather [hbm4b:s8+s4], $0x3E80, $0x38;
	[tilespmem:$0x1E800] =	vst v63  }
0x1a: {  	_ =	swait.ge [sflag:s12], $0x3E80  }
0x1b: {  	[sflag:s12] =	ssyncset.done $0x0  }
0x1c: {  	[sflag:s12] =	ssyncadd.s32 $0xFFFFC180  }
0x1d: {  	s18 =	simm.s32 $0x0;
	[bflag:$0x0] =	sbarrier.arrive $0xFFFF  }
0x1e: {  	[tilespmem:s15], [sflag:$0x1] =	stream.indirect.gather [hbm4b:s1+s14], $0x80, s18, s14, $0xb8;
	[tilespmem:$0x1E800] =	vst v63  }
0x1f: {  	_ =	swait.ge [sflag:s16], $0x2800  }
0x20: {  	[sflag:s16] =	ssyncset.done $0x0  }
0x21: {  	s31 =	simm.s32 $0x4000;
	[sflag:s16] =	ssyncadd.s32 $0xFFFFD800  }
0x22: {  	[spmem:s3] =	stream.indirect.scatter.add.f32 [tilespmem:s15], [sflag:$0x2], $0x80, s31, s14, $0xb8;
	[tilespmem:$0x1E800] =	vst v63  }
0x23: {  	_ =	swait.ge [sflag:s12], $0x2800  }
0x24: {  	s19 =	simm.s32 $0x400;
	s18 =	simm.s32 $0x200;
	[sflag:s12] =	ssyncset.done $0x0  }
.LBB2_2:
0x25: {  	s20 =	sshra.s32 s18, $0x2  }
0x26: {  	[sflag:s12] =	ssyncadd.s32 $0xFFFFD800;
	s18 =	smov.u32 s19;
	s21 =	sadd.s32 $0x200, s19  }
0x27: {  	[tilespmem:s15], [sflag:$0x1] =	stream.indirect.gather [hbm4b:s1+s14], $0x80, s20, s14, $0xb8;
	[tilespmem:$0x1E800] =	vst v63  }
0x28: {  	p0 =	sne.s32 s19, $0xF800;
	_ =	swait.ge [sflag:s16], $0x2800  }
.Ltmp0:
0x29: {  	[sflag:s16] =	ssyncset.done $0x0;
	(pc) =	sbr.rel @p0 .LBB2_2-.Ltmp0, $4  }
0x2a: {  	s19 =	sadd.s32 $0x4000, s20;
	[sflag:s16] =	ssyncadd.s32 $0xFFFFD800  }
0x2b: {  	[spmem:s3] =	stream.indirect.scatter.add.f32 [tilespmem:s15], [sflag:$0x2], $0x80, s19, s14, $0xb8;
	[tilespmem:$0x1E800] =	vst v63  }
0x2c: {  	_ =	swait.ge [sflag:s12], $0x2800  }
0x2d: {  	s19 =	smov.u32 s21;
	[sflag:s12] =	ssyncset.done $0x0  }
0x2e: {  	s18 =	sshra.s32 s18, $0x2;
	[sflag:s12] =	ssyncadd.s32 $0xFFFFD800  }
0x2f: {  	[tilespmem:s15], [sflag:$0x1] =	stream.indirect.gather [hbm4b:s1+s14], $0x80, s18, s14, $0xb8;
	[tilespmem:$0x1E800] =	vst v63  }
0x30: {  	_ =	swait.ge [sflag:s16], $0x2800  }
0x31: {  	[sflag:s16] =	ssyncset.done $0x0  }
0x32: {  	s18 =	sadd.s32 $0x4000, s18;
	[sflag:s16] =	ssyncadd.s32 $0xFFFFD800  }
0x33: {  	[spmem:s3] =	stream.indirect.scatter.add.f32 [tilespmem:s15], [sflag:$0x2], $0x80, s18, s14, $0xb8;
	[tilespmem:$0x1E800] =	vst v63  }
0x34: {  	_ =	swait.ge [sflag:s12], $0x2800  }
0x35: {  	s17 =	sadd.s32 $0x1, s17;
	[sflag:s12] =	ssyncset.done $0x0  }
0x36: {  	p0 =	sne.s32 s17, s10;
	[sflag:s12] =	ssyncadd.s32 $0xFFFFD800  }
.Ltmp1:
0x37: {  	[bflag:$0x0] =	sbarrier.arrive $0xFFFF;
	(pc) =	sbr.rel @p0 .LBB2_1-.Ltmp1, $4  }
0x38: {  	[hbm:s9], [sflag:s6] =	dma.local [spmem:s11], $0x2800  }
0x39: {  	_ =	swait.ge [sflag:s12], $0x2800  }
0x3a: {  	[sflag:s12] =	ssyncset.done $0x0  }
0x3b: {  	[sflag:s12] =	ssyncadd.s32 $0xFFFFD800  }
0x3c: {  	_ =	sfence.sel $0x180000  }
0x3d: {  	[bflag:$0x0] =	sbarrier.arrive $0xFFFF  }
0x3e: {  	p0 =	sne.s32 s2, $0x0;
	_ =	strace $0x90000047  }
0x3f: {  	s0 =	sadd.s32 @!p0 $0x100000, s0;
	[bflag:$0x2] =	sbarrier.arrive $0xFFFF  }
0x40: {  	[sflag:s0] =	ssyncadd.tile.s32 @!p0 $0x1;
	_ =	shalt  }
.Lfunc_end2:
_tile_overlayer_lowered:
.L_overlay_start_2:
0x41: {  	(tag) =	ssettag $0x2  }
0x42: {  	s0 =	rddreg [dreg:$0x0];
	s2 =	stileid.u32  }
0x43: {  	s1 =	rddreg [dreg:$0x1];
	p0 =	sne.s32 s2, $0x0  }
0x44: {  	s3 =	rddreg [dreg:$0x2];
	[bflag:$0x3] =	sbarrier.arrive $0xFFFF;
	s2 =	simm.s32 @!p0 $0x1C02  }
0x45: {  	[timem:s3], [sflag:s2] =	dma.local @!p0 [hbm:s0], s1  }
0x46: {  	s0 =	simm.s32 @!p0 $0x2  }
0x47: {  	_ =	swait.ge @!p0 [sflag:s0], s1  }
0x48: {  	s1 =	ssub.s32 @!p0 $0x0, s1;
	[sflag:s0] =	ssyncset.done @!p0 $0x0  }
0x49: {  	[sflag:s0] =	ssyncadd.s32 @!p0 s1  }
0x4a: {  	[bflag:$0x3] =	sbarrier.arrive $0xFFFF  }
0x4b: {  	_ =	shalt  }

</sc_bundles>
